<compile_context>
chip_gen: v7x
topology: tpu7x:2x2x1
jax: 0.10.2.dev20260603
libtpu: 0.0.44.dev20260713+nightly
codegen_flags: <defaults>
</compile_context>

<pallas_src>
import functools

import jax
import jax.numpy as jnp
from jax import lax
from jax.experimental import pallas as pl
from jax.experimental.pallas import tpu as pltpu
from jax.experimental.pallas import tpu_sc as plsc

N = 64
D = 128
L = 16
NCHUNK = N // L
NC = 2
NS = 16
NW = NC * NS
APW = N // NW
NEG = -1e30

_mesh = plsc.VectorSubcoreMesh(
    core_axis_name="c", subcore_axis_name="s", num_cores=NC, num_subcores=NS
)


@functools.partial(
    pl.kernel,
    out_type=jax.ShapeDtypeStruct((NC, L), jnp.float32),
    mesh=_mesh,
    compiler_params=pltpu.CompilerParams(needs_layout_passes=False),
    scratch_types=[
        pltpu.VMEM((D * N,), jnp.float32),
        pltpu.VMEM((N,), jnp.int32),
        pltpu.VMEM((L,), jnp.float32),
        pltpu.VMEM((APW * N,), jnp.float32),
        pltpu.VMEM((L,), jnp.float32),
        pltpu.VMEM((1, 2 * L), jnp.float32),
        pltpu.VMEM((1, 2 * L), jnp.float32),
        pltpu.VMEM((1, L), jnp.float32),
        pltpu.VMEM((1,), jnp.int32),
        pltpu.VMEM_SHARED((1, 2 * L), jnp.float32),
        pltpu.SemaphoreType.DMA,
        pltpu.SemaphoreType.DMA,
    ],
)
def _triplet_sc(ef_hbm, lab_hbm, max_hbm, zidx_hbm, out_hbm,
                ef_v, lab_v, histf_v, r_v, max_v,
                part_v, red_v, wr_v, zidx_v, shared, sem_s, sem_b):
    c = lax.axis_index("c")
    s = lax.axis_index("s")
    wid = s * NC + c
    a0 = wid * APW
    a1 = a0 + 1

    h_ef = pltpu.async_copy(ef_hbm, ef_v, sem_b)
    h_lab = pltpu.async_copy(lab_hbm, lab_v, sem_s)
    h_max = pltpu.async_copy(max_hbm, max_v, sem_s)
    h_zi = pltpu.async_copy(zidx_hbm, zidx_v, sem_s)
    h_lab.wait()
    h_max.wait()
    h_zi.wait()

    iota = lax.iota(jnp.int32, L)
    zf = jnp.zeros((L,), jnp.float32)
    inv = 1.0 / max_v[...]

    @pl.when(s == 0)
    def _():
        red_v[0, pl.ds(0, L)] = zf
        red_v[0, pl.ds(L, L)] = zf
        pltpu.sync_copy(red_v, shared)

    hs = [jnp.zeros((L,), jnp.int32) for _ in range(4)]
    for j in range(N):
        lj = plsc.load_gather(lab_v, [jnp.full((L,), j, jnp.int32)])
        hs[j % 4] = hs[j % 4] + jnp.where(iota == lj, 1, 0).astype(jnp.int32)
    histf_v[...] = (hs[0] + hs[1] + hs[2] + hs[3]).astype(jnp.float32)

    h_ef.wait()

    @plsc.parallel_loop(0, D, unroll=2, carry=(zf,) * (2 * NCHUNK))
    def p1_accs(d, accs):
        base = d * N
        ea0 = plsc.load_gather(ef_v, [jnp.full((L,), base + a0, jnp.int32)])
        ea1 = plsc.load_gather(ef_v, [jnp.full((L,), base + a1, jnp.int32)])
        out = []
        for q in range(NCHUNK):
            col = ef_v[pl.ds(base + q * L, L)]
            d0 = col - ea0
            d1 = col - ea1
            out.append(accs[q] + d0 * d0)
            out.append(accs[NCHUNK + q] + d1 * d1)
        return tuple(out[0::2]) + tuple(out[1::2])

    for q in range(NCHUNK):
        r_v[pl.ds(q * L, L)] = p1_accs[q]
        r_v[pl.ds(N + q * L, L)] = p1_accs[NCHUNK + q]

    lab_c = [lab_v[pl.ds(q * L, L)] for q in range(NCHUNK)]
    lpf_c = [lc.astype(jnp.float32) for lc in lab_c]
    cdf_c = [N - plsc.load_gather(histf_v, [lab_c[q]]) for q in range(NCHUNK)]
    laf0 = plsc.load_gather(lab_v, [jnp.full((L,), a0, jnp.int32)]
                            ).astype(jnp.float32)
    laf1 = plsc.load_gather(lab_v, [jnp.full((L,), a1, jnp.int32)]
                            ).astype(jnp.float32)

    rp_eff0 = []
    rp_eff1 = []
    bfs_c = []
    cnt_corr = zf
    for q in range(NCHUNK):
        pc = iota + q * L
        valid = cdf_c[q] >= 2.0
        cond0 = valid & (pc != a0)
        cond1 = valid & (pc != a1)
        bf0 = jnp.where(cond0, 1.0, 0.0)
        bf1 = jnp.where(cond1, 1.0, 0.0)
        bfs_c.append(bf0 + bf1)
        rp0 = r_v[pl.ds(q * L, L)]
        rp1 = r_v[pl.ds(N + q * L, L)]
        rp_eff0.append(jnp.where(cond0, rp0, NEG))
        rp_eff1.append(jnp.where(cond1, rp1, NEG))
        t0 = lpf_c[q] - laf0
        t1 = lpf_c[q] - laf1
        cnt_corr = (cnt_corr - jnp.where(t0 == 0.0, 0.0, bf0)
                    - jnp.where(t1 == 0.0, 0.0, bf1))

    def chunk_terms(q, rn0, rn1, lnf):
        t = lpf_c[q] - lnf
        pen = jnp.abs(t) * inv
        pen_eff = jnp.where(t == 0.0, NEG, pen)
        v0 = jnp.maximum(rp_eff0[q] - rn0 + pen_eff, 0.0)
        v1 = jnp.maximum(rp_eff1[q] - rn1 + pen_eff, 0.0)
        cm = jnp.where(t == 0.0, 0.0, bfs_c[q])
        return v0, v1, cm

    @plsc.parallel_loop(0, N, unroll=2, carry=(zf,) * (3 * NCHUNK))
    def sums(n, carry):
        idx = jnp.full((L,), n, jnp.int32)
        rn0 = plsc.load_gather(r_v, [idx])
        rn1 = plsc.load_gather(r_v, [idx + N])
        lnf = plsc.load_gather(lab_v, [idx]).astype(jnp.float32)
        out = list(carry)
        for q in range(NCHUNK):
            v0, v1, cm = chunk_terms(q, rn0, rn1, lnf)
            out[q] = carry[q] + v0
            out[NCHUNK + q] = carry[NCHUNK + q] + v1
            out[2 * NCHUNK + q] = carry[2 * NCHUNK + q] + cm
        return tuple(out)

    ia0 = jnp.full((L,), a0, jnp.int32)
    ia1 = jnp.full((L,), a1, jnp.int32)
    ra00 = plsc.load_gather(r_v, [ia0])
    ra01 = plsc.load_gather(r_v, [ia0 + N])
    ra10 = plsc.load_gather(r_v, [ia1])
    ra11 = plsc.load_gather(r_v, [ia1 + N])
    acc_tot = zf
    cnt_tot = cnt_corr
    for q in range(NCHUNK):
        v0a, _, _ = chunk_terms(q, ra00, ra01, laf0)
        _, v1a, _ = chunk_terms(q, ra10, ra11, laf1)
        acc_tot = acc_tot + (sums[q] - v0a) + (sums[NCHUNK + q] - v1a)
        cnt_tot = cnt_tot + sums[2 * NCHUNK + q]

    part_v[0, pl.ds(0, L)] = acc_tot
    part_v[0, pl.ds(L, L)] = cnt_tot
    plsc.subcore_barrier()
    pltpu.sync_copy(part_v, shared.at[zidx_v], add=True)
    plsc.subcore_barrier()

    @pl.when(s == 0)
    def _():
        pltpu.sync_copy(shared, red_v)
        tsum = jnp.sum(red_v[0, pl.ds(0, L)])
        csum = jnp.sum(red_v[0, pl.ds(L, L)])
        wr_v[0, pl.ds(0, L)] = jnp.where(
            iota == 0, tsum, jnp.where(iota == 1, csum, 0.0))
        pltpu.sync_copy(wr_v, out_hbm.at[pl.ds(c, 1)])


def kernel(embeddings, target, max_score):
    ef = embeddings.T.reshape(-1)
    maxf = jnp.broadcast_to(
        jnp.asarray(max_score).astype(jnp.float32), (L,))
    zidx = jnp.zeros((1,), jnp.int32)
    out = _triplet_sc(ef, target, maxf, zidx)
    total = out[0, 0] + out[1, 0]
    cf = out[0, 1] + out[1, 1]
    mean = total / cf
    count = cf.astype(jnp.int32)
    return (mean, count)

# --- scband reference (transcript-rebuilt; emitter-appended) ---
"""Pipeline reference for scband-normalized-dual-online-triplet-loss-18245021073582 (READ-ONLY COPY).

The authoritative reference and input builder live on the scoring server;
editing this copy changes nothing except your own understanding.
"""

import jax, jax.numpy as jnp
import numpy as np

MARGIN = 1.0
P = 1
K = 1

def _get_all_triplets(labels):
    triplets = []
    n = len(labels)
    for anchor_idx in range(n):
        for pair_idx in range(n):
            if anchor_idx == pair_idx:
                continue
            pair_label = labels[pair_idx]
            label_mask = labels != pair_label
            label_indices = np.where(label_mask)[0]
            if len(label_indices) < 2:
                continue
            for neg_ind in label_indices:
                if neg_ind != anchor_idx:
                    triplets.append([anchor_idx, pair_idx, neg_ind])
    return np.array(triplets, dtype=np.int32)

def setup_inputs(seed: int = 0):
    key = jax.random.key(seed)
    k1, k2 = jax.random.split(key)
    embeddings = jax.random.normal(k1, (64, 128), dtype=jnp.float32)
    target = jax.random.randint(k2, (64,), 0, 10, dtype=jnp.int32)
    return {"embeddings": embeddings, "target": target, "max_score": 10}

def reference(embeddings, target, max_score):
    n = target.shape[0]
    labels = target
    idx = jnp.arange(n)
    diff = labels[:, None] != labels[None, :]
    cnt_diff = jnp.sum(diff, axis=0)
    a_ne_p = idx[:, None, None] != idx[None, :, None]
    n_ne_a = idx[None, None, :] != idx[:, None, None]
    lab_ne = diff[None, :, :]
    valid_p = (cnt_diff >= 2)[None, :, None]
    mask = a_ne_p & n_ne_a & lab_ne & valid_p
    sq = jnp.sum((embeddings[:, None, :] - embeddings[None, :, :]) ** 2, axis=-1)
    ap_distances = sq[:, :, None]
    an_distances = sq[:, None, :]
    penalty = jnp.abs(labels[None, :, None] - labels[None, None, :]).astype(jnp.float32)
    delta = penalty / (jnp.asarray(max_score).astype(jnp.float32) ** P) * K
    losses = jax.nn.relu(ap_distances - an_distances + delta * MARGIN)
    count = jnp.sum(mask).astype(jnp.int32)
    total = jnp.sum(losses * mask.astype(jnp.float32))
    mean = total / count.astype(jnp.float32)
    return (mean, count)

if __name__ == "__main__":
    import jax
    _d = setup_inputs()
    print(jax.jit(kernel)(*tuple(_d.values())))

</pallas_src>

<mosaic_0001>
#map = affine_map<(d0, d1) -> (0)>
#map1 = affine_map<(d0, d1) -> (0, 0)>
module attributes {stable_mosaic.version = 14 : i64} {
  func.func @_triplet_sc(%arg0: i32, %arg1: i32, %arg2: memref<8192xf32, #tpu.memory_space<hbm>>, %arg3: memref<64xi32, #tpu.memory_space<hbm>>, %arg4: memref<16xf32, #tpu.memory_space<hbm>>, %arg5: memref<1xi32, #tpu.memory_space<hbm>>, %arg6: memref<2x16xf32, #tpu.memory_space<hbm>>, %arg7: memref<8192xf32, #tpu.memory_space<vmem>>, %arg8: memref<64xi32, #tpu.memory_space<vmem>>, %arg9: memref<16xf32, #tpu.memory_space<vmem>>, %arg10: memref<128xf32, #tpu.memory_space<vmem>>, %arg11: memref<16xf32, #tpu.memory_space<vmem>>, %arg12: memref<1x32xf32, #tpu.memory_space<vmem>>, %arg13: memref<1x32xf32, #tpu.memory_space<vmem>>, %arg14: memref<1x16xf32, #tpu.memory_space<vmem>>, %arg15: memref<1xi32, #tpu.memory_space<vmem>>, %arg16: memref<1x32xf32, #tpu.memory_space<vmem_shared>>, %arg17: memref<!tpu.dma_semaphore, #tpu.memory_space<semaphore_mem>>, %arg18: memref<!tpu.dma_semaphore, #tpu.memory_space<semaphore_mem>>) attributes {dimension_semantics = [#tpu.dimension_semantics<core_parallel>, #tpu.dimension_semantics<subcore_parallel>], iteration_bounds = array<i64: 2, 16>, scalar_prefetch = 0 : i64, scratch_operands = 12 : i64, tpu.core_type = #tpu.core_type<sc_vector_subcore>, window_params = [{transform_indices = #map}, {transform_indices = #map}, {transform_indices = #map}, {transform_indices = #map}, {transform_indices = #map1}]} {
    %mul3A = arith.constant 2 : i32
    %mul3A_0 = arith.muli %arg1, %mul3A : i32
    %add3A = arith.addi %mul3A_0, %arg0 : i32
    %mul3A_1 = arith.constant 2 : i32
    %mul3A_2 = arith.muli %add3A, %mul3A_1 : i32
    %add3A_3 = arith.constant 1 : i32
    %add3A_4 = arith.addi %mul3A_2, %add3A_3 : i32
    tpu.enqueue_dma source(%arg2 : memref<8192xf32, #tpu.memory_space<hbm>>) target(%arg7 : memref<8192xf32, #tpu.memory_space<vmem>>) target_semaphore(%arg18 : memref<!tpu.dma_semaphore, #tpu.memory_space<semaphore_mem>>)
    tpu.enqueue_dma source(%arg3 : memref<64xi32, #tpu.memory_space<hbm>>) target(%arg8 : memref<64xi32, #tpu.memory_space<vmem>>) target_semaphore(%arg17 : memref<!tpu.dma_semaphore, #tpu.memory_space<semaphore_mem>>)
    tpu.enqueue_dma source(%arg4 : memref<16xf32, #tpu.memory_space<hbm>>) target(%arg11 : memref<16xf32, #tpu.memory_space<vmem>>) target_semaphore(%arg17 : memref<!tpu.dma_semaphore, #tpu.memory_space<semaphore_mem>>)
    tpu.enqueue_dma source(%arg5 : memref<1xi32, #tpu.memory_space<hbm>>) target(%arg15 : memref<1xi32, #tpu.memory_space<vmem>>) target_semaphore(%arg17 : memref<!tpu.dma_semaphore, #tpu.memory_space<semaphore_mem>>)
    tpu.wait_dma2 semaphore(%arg17 : memref<!tpu.dma_semaphore, #tpu.memory_space<semaphore_mem>>) src(%arg3 : memref<64xi32, #tpu.memory_space<hbm>>) dst(%arg8 : memref<64xi32, #tpu.memory_space<vmem>>)
    tpu.wait_dma2 semaphore(%arg17 : memref<!tpu.dma_semaphore, #tpu.memory_space<semaphore_mem>>) src(%arg4 : memref<16xf32, #tpu.memory_space<hbm>>) dst(%arg11 : memref<16xf32, #tpu.memory_space<vmem>>)
    tpu.wait_dma2 semaphore(%arg17 : memref<!tpu.dma_semaphore, #tpu.memory_space<semaphore_mem>>) src(%arg5 : memref<1xi32, #tpu.memory_space<hbm>>) dst(%arg15 : memref<1xi32, #tpu.memory_space<vmem>>)
    %iota3A = tpu.iota {dimensions = array<i32: 0>} : vector<16xi32>
    %broadcast_in_dim3A = arith.constant 0.000000e+00 : f32
    %broadcast_in_dim3A_5 = vector.broadcast %broadcast_in_dim3A : f32 to vector<16xf32>
    %get3A = arith.constant 0 : index
    %get3A_6 = tpu.vector_load %arg11[%get3A] {strides = array<i32>} : memref<16xf32, #tpu.memory_space<vmem>>, vector<16xf32>,
    %div3A = arith.constant 1.000000e+00 : f32
    %div3A_7 = vector.broadcast %div3A : f32 to vector<16xf32>
    %div3A_8 = arith.divf %div3A_7, %get3A_6 : vector<16xf32>
    %eq3A = arith.constant 0 : i32
    %eq3A_9 = arith.cmpi eq, %arg1, %eq3A : i32
    %convert_element_type3A = arith.extui %eq3A_9 : i1 to i32
    %cond3A = arith.constant 0 : i32
    %cond3A_10 = arith.cmpi ne, %convert_element_type3A, %cond3A : i32
    scf.if %cond3A_10 {
      %swap3A_1154 = arith.constant 0 : i32
      %swap3A_1155 = arith.index_cast %swap3A_1154 : i32 to index
      %swap3A_1156 = arith.constant 0 : index
      %swap3A_1157 = tpu.vector_load %arg13[%swap3A_1155, %swap3A_1156] {strides = array<i32>} : memref<1x32xf32, #tpu.memory_space<vmem>>, vector<16xf32>,
      tpu.vector_store %arg13[%swap3A_1155, %swap3A_1156], %broadcast_in_dim3A_5 {strides = array<i32>} : memref<1x32xf32, #tpu.memory_space<vmem>>, vector<16xf32>,
      %swap3A_1158 = arith.constant 0 : i32
      %swap3A_1159 = arith.index_cast %swap3A_1158 : i32 to index
      %swap3A_1160 = arith.constant 16 : index
      %swap3A_1161 = tpu.vector_load %arg13[%swap3A_1159, %swap3A_1160] {strides = array<i32>} : memref<1x32xf32, #tpu.memory_space<vmem>>, vector<16xf32>,
      tpu.vector_store %arg13[%swap3A_1159, %swap3A_1160], %broadcast_in_dim3A_5 {strides = array<i32>} : memref<1x32xf32, #tpu.memory_space<vmem>>, vector<16xf32>,
      "tpu.region"() ({
        %run_scoped3A = tpu.sem_alloc : memref<!tpu.dma_semaphore, #tpu.memory_space<semaphore_mem>>
        tpu.enqueue_dma source(%arg13 : memref<1x32xf32, #tpu.memory_space<vmem>>) target(%arg16 : memref<1x32xf32, #tpu.memory_space<vmem_shared>>) target_semaphore(%run_scoped3A : memref<!tpu.dma_semaphore, #tpu.memory_space<semaphore_mem>>)
        tpu.wait_dma2 semaphore(%run_scoped3A : memref<!tpu.dma_semaphore, #tpu.memory_space<semaphore_mem>>) src(%arg13 : memref<1x32xf32, #tpu.memory_space<vmem>>) dst(%arg16 : memref<1x32xf32, #tpu.memory_space<vmem_shared>>)
        tpu.yield
      }) : () -> ()
    } else {
    }
    %broadcast_in_dim3A_11 = arith.constant 0 : i32
    %broadcast_in_dim3A_12 = vector.broadcast %broadcast_in_dim3A_11 : i32 to vector<16xi32>
    %broadcast_in_dim3A_13 = arith.constant 0 : i32
    %broadcast_in_dim3A_14 = vector.broadcast %broadcast_in_dim3A_13 : i32 to vector<16xi32>
    %broadcast_in_dim3A_15 = arith.constant 0 : i32
    %broadcast_in_dim3A_16 = vector.broadcast %broadcast_in_dim3A_15 : i32 to vector<16xi32>
    %broadcast_in_dim3A_17 = arith.constant 0 : i32
    %broadcast_in_dim3A_18 = vector.broadcast %broadcast_in_dim3A_17 : i32 to vector<16xi32>
    %broadcast_in_dim3A_19 = arith.constant 0 : i32
    %broadcast_in_dim3A_20 = vector.broadcast %broadcast_in_dim3A_19 : i32 to vector<16xi32>
    %gather3A = tpu.vector_load_idx %arg8[%broadcast_in_dim3A_20] : memref<64xi32, #tpu.memory_space<vmem>>[vector<16xi32>], vector<16xi32>,
    %eq3A_21 = arith.cmpi eq, %iota3A, %gather3A : vector<16xi32>
    %jit3A = arith.constant 1 : i32
    %jit3A_22 = arith.constant 0 : i32
    %broadcast_in_dim3A_23 = vector.broadcast %jit3A : i32 to vector<16xi32>
    %broadcast_in_dim3A_24 = vector.broadcast %jit3A_22 : i32 to vector<16xi32>
    %select_n3A = arith.select %eq3A_21, %broadcast_in_dim3A_23, %broadcast_in_dim3A_24 : vector<16xi1>, vector<16xi32>
    %add3A_25 = arith.addi %broadcast_in_dim3A_12, %select_n3A : vector<16xi32>
    %broadcast_in_dim3A_26 = arith.constant 1 : i32
    %broadcast_in_dim3A_27 = vector.broadcast %broadcast_in_dim3A_26 : i32 to vector<16xi32>
    %gather3A_28 = tpu.vector_load_idx %arg8[%broadcast_in_dim3A_27] : memref<64xi32, #tpu.memory_space<vmem>>[vector<16xi32>], vector<16xi32>,
    %eq3A_29 = arith.cmpi eq, %iota3A, %gather3A_28 : vector<16xi32>
    %jit3A_30 = arith.constant 1 : i32
    %jit3A_31 = arith.constant 0 : i32
    %broadcast_in_dim3A_32 = vector.broadcast %jit3A_30 : i32 to vector<16xi32>
    %broadcast_in_dim3A_33 = vector.broadcast %jit3A_31 : i32 to vector<16xi32>
    %select_n3A_34 = arith.select %eq3A_29, %broadcast_in_dim3A_32, %broadcast_in_dim3A_33 : vector<16xi1>, vector<16xi32>
    %add3A_35 = arith.addi %broadcast_in_dim3A_14, %select_n3A_34 : vector<16xi32>
    %broadcast_in_dim3A_36 = arith.constant 2 : i32
    %broadcast_in_dim3A_37 = vector.broadcast %broadcast_in_dim3A_36 : i32 to vector<16xi32>
    %gather3A_38 = tpu.vector_load_idx %arg8[%broadcast_in_dim3A_37] : memref<64xi32, #tpu.memory_space<vmem>>[vector<16xi32>], vector<16xi32>,
    %eq3A_39 = arith.cmpi eq, %iota3A, %gather3A_38 : vector<16xi32>
    %jit3A_40 = arith.constant 1 : i32
    %jit3A_41 = arith.constant 0 : i32
    %broadcast_in_dim3A_42 = vector.broadcast %jit3A_40 : i32 to vector<16xi32>
    %broadcast_in_dim3A_43 = vector.broadcast %jit3A_41 : i32 to vector<16xi32>
    %select_n3A_44 = arith.select %eq3A_39, %broadcast_in_dim3A_42, %broadcast_in_dim3A_43 : vector<16xi1>, vector<16xi32>
    %add3A_45 = arith.addi %broadcast_in_dim3A_16, %select_n3A_44 : vector<16xi32>
    %broadcast_in_dim3A_46 = arith.constant 3 : i32
    %broadcast_in_dim3A_47 = vector.broadcast %broadcast_in_dim3A_46 : i32 to vector<16xi32>
    %gather3A_48 = tpu.vector_load_idx %arg8[%broadcast_in_dim3A_47] : memref<64xi32, #tpu.memory_space<vmem>>[vector<16xi32>], vector<16xi32>,
    %eq3A_49 = arith.cmpi eq, %iota3A, %gather3A_48 : vector<16xi32>
    %jit3A_50 = arith.constant 1 : i32
    %jit3A_51 = arith.constant 0 : i32
    %broadcast_in_dim3A_52 = vector.broadcast %jit3A_50 : i32 to vector<16xi32>
    %broadcast_in_dim3A_53 = vector.broadcast %jit3A_51 : i32 to vector<16xi32>
    %select_n3A_54 = arith.select %eq3A_49, %broadcast_in_dim3A_52, %broadcast_in_dim3A_53 : vector<16xi1>, vector<16xi32>
    %add3A_55 = arith.addi %broadcast_in_dim3A_18, %select_n3A_54 : vector<16xi32>
    %broadcast_in_dim3A_56 = arith.constant 4 : i32
    %broadcast_in_dim3A_57 = vector.broadcast %broadcast_in_dim3A_56 : i32 to vector<16xi32>
    %gather3A_58 = tpu.vector_load_idx %arg8[%broadcast_in_dim3A_57] : memref<64xi32, #tpu.memory_space<vmem>>[vector<16xi32>], vector<16xi32>,
    %eq3A_59 = arith.cmpi eq, %iota3A, %gather3A_58 : vector<16xi32>
    %jit3A_60 = arith.constant 1 : i32
    %jit3A_61 = arith.constant 0 : i32
    %broadcast_in_dim3A_62 = vector.broadcast %jit3A_60 : i32 to vector<16xi32>
    %broadcast_in_dim3A_63 = vector.broadcast %jit3A_61 : i32 to vector<16xi32>
    %select_n3A_64 = arith.select %eq3A_59, %broadcast_in_dim3A_62, %broadcast_in_dim3A_63 : vector<16xi1>, vector<16xi32>
    %add3A_65 = arith.addi %add3A_25, %select_n3A_64 : vector<16xi32>
    %broadcast_in_dim3A_66 = arith.constant 5 : i32
    %broadcast_in_dim3A_67 = vector.broadcast %broadcast_in_dim3A_66 : i32 to vector<16xi32>
    %gather3A_68 = tpu.vector_load_idx %arg8[%broadcast_in_dim3A_67] : memref<64xi32, #tpu.memory_space<vmem>>[vector<16xi32>], vector<16xi32>,
    %eq3A_69 = arith.cmpi eq, %iota3A, %gather3A_68 : vector<16xi32>
    %jit3A_70 = arith.constant 1 : i32
    %jit3A_71 = arith.constant 0 : i32
    %broadcast_in_dim3A_72 = vector.broadcast %jit3A_70 : i32 to vector<16xi32>
    %broadcast_in_dim3A_73 = vector.broadcast %jit3A_71 : i32 to vector<16xi32>
    %select_n3A_74 = arith.select %eq3A_69, %broadcast_in_dim3A_72, %broadcast_in_dim3A_73 : vector<16xi1>, vector<16xi32>
    %add3A_75 = arith.addi %add3A_35, %select_n3A_74 : vector<16xi32>
    %broadcast_in_dim3A_76 = arith.constant 6 : i32
    %broadcast_in_dim3A_77 = vector.broadcast %broadcast_in_dim3A_76 : i32 to vector<16xi32>
    %gather3A_78 = tpu.vector_load_idx %arg8[%broadcast_in_dim3A_77] : memref<64xi32, #tpu.memory_space<vmem>>[vector<16xi32>], vector<16xi32>,
    %eq3A_79 = arith.cmpi eq, %iota3A, %gather3A_78 : vector<16xi32>
    %jit3A_80 = arith.constant 1 : i32
    %jit3A_81 = arith.constant 0 : i32
    %broadcast_in_dim3A_82 = vector.broadcast %jit3A_80 : i32 to vector<16xi32>
    %broadcast_in_dim3A_83 = vector.broadcast %jit3A_81 : i32 to vector<16xi32>
    %select_n3A_84 = arith.select %eq3A_79, %broadcast_in_dim3A_82, %broadcast_in_dim3A_83 : vector<16xi1>, vector<16xi32>
    %add3A_85 = arith.addi %add3A_45, %select_n3A_84 : vector<16xi32>
    %broadcast_in_dim3A_86 = arith.constant 7 : i32
    %broadcast_in_dim3A_87 = vector.broadcast %broadcast_in_dim3A_86 : i32 to vector<16xi32>
    %gather3A_88 = tpu.vector_load_idx %arg8[%broadcast_in_dim3A_87] : memref<64xi32, #tpu.memory_space<vmem>>[vector<16xi32>], vector<16xi32>,
    %eq3A_89 = arith.cmpi eq, %iota3A, %gather3A_88 : vector<16xi32>
    %jit3A_90 = arith.constant 1 : i32
    %jit3A_91 = arith.constant 0 : i32
    %broadcast_in_dim3A_92 = vector.broadcast %jit3A_90 : i32 to vector<16xi32>
    %broadcast_in_dim3A_93 = vector.broadcast %jit3A_91 : i32 to vector<16xi32>
    %select_n3A_94 = arith.select %eq3A_89, %broadcast_in_dim3A_92, %broadcast_in_dim3A_93 : vector<16xi1>, vector<16xi32>
    %add3A_95 = arith.addi %add3A_55, %select_n3A_94 : vector<16xi32>
    %broadcast_in_dim3A_96 = arith.constant 8 : i32
    %broadcast_in_dim3A_97 = vector.broadcast %broadcast_in_dim3A_96 : i32 to vector<16xi32>
    %gather3A_98 = tpu.vector_load_idx %arg8[%broadcast_in_dim3A_97] : memref<64xi32, #tpu.memory_space<vmem>>[vector<16xi32>], vector<16xi32>,
    %eq3A_99 = arith.cmpi eq, %iota3A, %gather3A_98 : vector<16xi32>
    %jit3A_100 = arith.constant 1 : i32
    %jit3A_101 = arith.constant 0 : i32
    %broadcast_in_dim3A_102 = vector.broadcast %jit3A_100 : i32 to vector<16xi32>
    %broadcast_in_dim3A_103 = vector.broadcast %jit3A_101 : i32 to vector<16xi32>
    %select_n3A_104 = arith.select %eq3A_99, %broadcast_in_dim3A_102, %broadcast_in_dim3A_103 : vector<16xi1>, vector<16xi32>
    %add3A_105 = arith.addi %add3A_65, %select_n3A_104 : vector<16xi32>
    %broadcast_in_dim3A_106 = arith.constant 9 : i32
    %broadcast_in_dim3A_107 = vector.broadcast %broadcast_in_dim3A_106 : i32 to vector<16xi32>
    %gather3A_108 = tpu.vector_load_idx %arg8[%broadcast_in_dim3A_107] : memref<64xi32, #tpu.memory_space<vmem>>[vector<16xi32>], vector<16xi32>,
    %eq3A_109 = arith.cmpi eq, %iota3A, %gather3A_108 : vector<16xi32>
    %jit3A_110 = arith.constant 1 : i32
    %jit3A_111 = arith.constant 0 : i32
    %broadcast_in_dim3A_112 = vector.broadcast %jit3A_110 : i32 to vector<16xi32>
    %broadcast_in_dim3A_113 = vector.broadcast %jit3A_111 : i32 to vector<16xi32>
    %select_n3A_114 = arith.select %eq3A_109, %broadcast_in_dim3A_112, %broadcast_in_dim3A_113 : vector<16xi1>, vector<16xi32>
    %add3A_115 = arith.addi %add3A_75, %select_n3A_114 : vector<16xi32>
    %broadcast_in_dim3A_116 = arith.constant 10 : i32
    %broadcast_in_dim3A_117 = vector.broadcast %broadcast_in_dim3A_116 : i32 to vector<16xi32>
    %gather3A_118 = tpu.vector_load_idx %arg8[%broadcast_in_dim3A_117] : memref<64xi32, #tpu.memory_space<vmem>>[vector<16xi32>], vector<16xi32>,
    %eq3A_119 = arith.cmpi eq, %iota3A, %gather3A_118 : vector<16xi32>
    %jit3A_120 = arith.constant 1 : i32
    %jit3A_121 = arith.constant 0 : i32
    %broadcast_in_dim3A_122 = vector.broadcast %jit3A_120 : i32 to vector<16xi32>
    %broadcast_in_dim3A_123 = vector.broadcast %jit3A_121 : i32 to vector<16xi32>
    %select_n3A_124 = arith.select %eq3A_119, %broadcast_in_dim3A_122, %broadcast_in_dim3A_123 : vector<16xi1>, vector<16xi32>
    %add3A_125 = arith.addi %add3A_85, %select_n3A_124 : vector<16xi32>
    %broadcast_in_dim3A_126 = arith.constant 11 : i32
    %broadcast_in_dim3A_127 = vector.broadcast %broadcast_in_dim3A_126 : i32 to vector<16xi32>
    %gather3A_128 = tpu.vector_load_idx %arg8[%broadcast_in_dim3A_127] : memref<64xi32, #tpu.memory_space<vmem>>[vector<16xi32>], vector<16xi32>,
    %eq3A_129 = arith.cmpi eq, %iota3A, %gather3A_128 : vector<16xi32>
    %jit3A_130 = arith.constant 1 : i32
    %jit3A_131 = arith.constant 0 : i32
    %broadcast_in_dim3A_132 = vector.broadcast %jit3A_130 : i32 to vector<16xi32>
    %broadcast_in_dim3A_133 = vector.broadcast %jit3A_131 : i32 to vector<16xi32>
    %select_n3A_134 = arith.select %eq3A_129, %broadcast_in_dim3A_132, %broadcast_in_dim3A_133 : vector<16xi1>, vector<16xi32>
    %add3A_135 = arith.addi %add3A_95, %select_n3A_134 : vector<16xi32>
    %broadcast_in_dim3A_136 = arith.constant 12 : i32
    %broadcast_in_dim3A_137 = vector.broadcast %broadcast_in_dim3A_136 : i32 to vector<16xi32>
    %gather3A_138 = tpu.vector_load_idx %arg8[%broadcast_in_dim3A_137] : memref<64xi32, #tpu.memory_space<vmem>>[vector<16xi32>], vector<16xi32>,
    %eq3A_139 = arith.cmpi eq, %iota3A, %gather3A_138 : vector<16xi32>
    %jit3A_140 = arith.constant 1 : i32
    %jit3A_141 = arith.constant 0 : i32
    %broadcast_in_dim3A_142 = vector.broadcast %jit3A_140 : i32 to vector<16xi32>
    %broadcast_in_dim3A_143 = vector.broadcast %jit3A_141 : i32 to vector<16xi32>
    %select_n3A_144 = arith.select %eq3A_139, %broadcast_in_dim3A_142, %broadcast_in_dim3A_143 : vector<16xi1>, vector<16xi32>
    %add3A_145 = arith.addi %add3A_105, %select_n3A_144 : vector<16xi32>
    %broadcast_in_dim3A_146 = arith.constant 13 : i32
    %broadcast_in_dim3A_147 = vector.broadcast %broadcast_in_dim3A_146 : i32 to vector<16xi32>
    %gather3A_148 = tpu.vector_load_idx %arg8[%broadcast_in_dim3A_147] : memref<64xi32, #tpu.memory_space<vmem>>[vector<16xi32>], vector<16xi32>,
    %eq3A_149 = arith.cmpi eq, %iota3A, %gather3A_148 : vector<16xi32>
    %jit3A_150 = arith.constant 1 : i32
    %jit3A_151 = arith.constant 0 : i32
    %broadcast_in_dim3A_152 = vector.broadcast %jit3A_150 : i32 to vector<16xi32>
    %broadcast_in_dim3A_153 = vector.broadcast %jit3A_151 : i32 to vector<16xi32>
    %select_n3A_154 = arith.select %eq3A_149, %broadcast_in_dim3A_152, %broadcast_in_dim3A_153 : vector<16xi1>, vector<16xi32>
    %add3A_155 = arith.addi %add3A_115, %select_n3A_154 : vector<16xi32>
    %broadcast_in_dim3A_156 = arith.constant 14 : i32
    %broadcast_in_dim3A_157 = vector.broadcast %broadcast_in_dim3A_156 : i32 to vector<16xi32>
    %gather3A_158 = tpu.vector_load_idx %arg8[%broadcast_in_dim3A_157] : memref<64xi32, #tpu.memory_space<vmem>>[vector<16xi32>], vector<16xi32>,
    %eq3A_159 = arith.cmpi eq, %iota3A, %gather3A_158 : vector<16xi32>
    %jit3A_160 = arith.constant 1 : i32
    %jit3A_161 = arith.constant 0 : i32
    %broadcast_in_dim3A_162 = vector.broadcast %jit3A_160 : i32 to vector<16xi32>
    %broadcast_in_dim3A_163 = vector.broadcast %jit3A_161 : i32 to vector<16xi32>
    %select_n3A_164 = arith.select %eq3A_159, %broadcast_in_dim3A_162, %broadcast_in_dim3A_163 : vector<16xi1>, vector<16xi32>
    %add3A_165 = arith.addi %add3A_125, %select_n3A_164 : vector<16xi32>
    %broadcast_in_dim3A_166 = arith.constant 15 : i32
    %broadcast_in_dim3A_167 = vector.broadcast %broadcast_in_dim3A_166 : i32 to vector<16xi32>
    %gather3A_168 = tpu.vector_load_idx %arg8[%broadcast_in_dim3A_167] : memref<64xi32, #tpu.memory_space<vmem>>[vector<16xi32>], vector<16xi32>,
    %eq3A_169 = arith.cmpi eq, %iota3A, %gather3A_168 : vector<16xi32>
    %jit3A_170 = arith.constant 1 : i32
    %jit3A_171 = arith.constant 0 : i32
    %broadcast_in_dim3A_172 = vector.broadcast %jit3A_170 : i32 to vector<16xi32>
    %broadcast_in_dim3A_173 = vector.broadcast %jit3A_171 : i32 to vector<16xi32>
    %select_n3A_174 = arith.select %eq3A_169, %broadcast_in_dim3A_172, %broadcast_in_dim3A_173 : vector<16xi1>, vector<16xi32>
    %add3A_175 = arith.addi %add3A_135, %select_n3A_174 : vector<16xi32>
    %broadcast_in_dim3A_176 = arith.constant 16 : i32
    %broadcast_in_dim3A_177 = vector.broadcast %broadcast_in_dim3A_176 : i32 to vector<16xi32>
    %gather3A_178 = tpu.vector_load_idx %arg8[%broadcast_in_dim3A_177] : memref<64xi32, #tpu.memory_space<vmem>>[vector<16xi32>], vector<16xi32>,
    %eq3A_179 = arith.cmpi eq, %iota3A, %gather3A_178 : vector<16xi32>
    %jit3A_180 = arith.constant 1 : i32
    %jit3A_181 = arith.constant 0 : i32
    %broadcast_in_dim3A_182 = vector.broadcast %jit3A_180 : i32 to vector<16xi32>
    %broadcast_in_dim3A_183 = vector.broadcast %jit3A_181 : i32 to vector<16xi32>
    %select_n3A_184 = arith.select %eq3A_179, %broadcast_in_dim3A_182, %broadcast_in_dim3A_183 : vector<16xi1>, vector<16xi32>
    %add3A_185 = arith.addi %add3A_145, %select_n3A_184 : vector<16xi32>
    %broadcast_in_dim3A_186 = arith.constant 17 : i32
    %broadcast_in_dim3A_187 = vector.broadcast %broadcast_in_dim3A_186 : i32 to vector<16xi32>
    %gather3A_188 = tpu.vector_load_idx %arg8[%broadcast_in_dim3A_187] : memref<64xi32, #tpu.memory_space<vmem>>[vector<16xi32>], vector<16xi32>,
    %eq3A_189 = arith.cmpi eq, %iota3A, %gather3A_188 : vector<16xi32>
    %jit3A_190 = arith.constant 1 : i32
    %jit3A_191 = arith.constant 0 : i32
    %broadcast_in_dim3A_192 = vector.broadcast %jit3A_190 : i32 to vector<16xi32>
    %broadcast_in_dim3A_193 = vector.broadcast %jit3A_191 : i32 to vector<16xi32>
    %select_n3A_194 = arith.select %eq3A_189, %broadcast_in_dim3A_192, %broadcast_in_dim3A_193 : vector<16xi1>, vector<16xi32>
    %add3A_195 = arith.addi %add3A_155, %select_n3A_194 : vector<16xi32>
    %broadcast_in_dim3A_196 = arith.constant 18 : i32
    %broadcast_in_dim3A_197 = vector.broadcast %broadcast_in_dim3A_196 : i32 to vector<16xi32>
    %gather3A_198 = tpu.vector_load_idx %arg8[%broadcast_in_dim3A_197] : memref<64xi32, #tpu.memory_space<vmem>>[vector<16xi32>], vector<16xi32>,
    %eq3A_199 = arith.cmpi eq, %iota3A, %gather3A_198 : vector<16xi32>
    %jit3A_200 = arith.constant 1 : i32
    %jit3A_201 = arith.constant 0 : i32
    %broadcast_in_dim3A_202 = vector.broadcast %jit3A_200 : i32 to vector<16xi32>
    %broadcast_in_dim3A_203 = vector.broadcast %jit3A_201 : i32 to vector<16xi32>
    %select_n3A_204 = arith.select %eq3A_199, %broadcast_in_dim3A_202, %broadcast_in_dim3A_203 : vector<16xi1>, vector<16xi32>
    %add3A_205 = arith.addi %add3A_165, %select_n3A_204 : vector<16xi32>
    %broadcast_in_dim3A_206 = arith.constant 19 : i32
    %broadcast_in_dim3A_207 = vector.broadcast %broadcast_in_dim3A_206 : i32 to vector<16xi32>
    %gather3A_208 = tpu.vector_load_idx %arg8[%broadcast_in_dim3A_207] : memref<64xi32, #tpu.memory_space<vmem>>[vector<16xi32>], vector<16xi32>,
    %eq3A_209 = arith.cmpi eq, %iota3A, %gather3A_208 : vector<16xi32>
    %jit3A_210 = arith.constant 1 : i32
    %jit3A_211 = arith.constant 0 : i32
    %broadcast_in_dim3A_212 = vector.broadcast %jit3A_210 : i32 to vector<16xi32>
    %broadcast_in_dim3A_213 = vector.broadcast %jit3A_211 : i32 to vector<16xi32>
    %select_n3A_214 = arith.select %eq3A_209, %broadcast_in_dim3A_212, %broadcast_in_dim3A_213 : vector<16xi1>, vector<16xi32>
    %add3A_215 = arith.addi %add3A_175, %select_n3A_214 : vector<16xi32>
    %broadcast_in_dim3A_216 = arith.constant 20 : i32
    %broadcast_in_dim3A_217 = vector.broadcast %broadcast_in_dim3A_216 : i32 to vector<16xi32>
    %gather3A_218 = tpu.vector_load_idx %arg8[%broadcast_in_dim3A_217] : memref<64xi32, #tpu.memory_space<vmem>>[vector<16xi32>], vector<16xi32>,
    %eq3A_219 = arith.cmpi eq, %iota3A, %gather3A_218 : vector<16xi32>
    %jit3A_220 = arith.constant 1 : i32
    %jit3A_221 = arith.constant 0 : i32
    %broadcast_in_dim3A_222 = vector.broadcast %jit3A_220 : i32 to vector<16xi32>
    %broadcast_in_dim3A_223 = vector.broadcast %jit3A_221 : i32 to vector<16xi32>
    %select_n3A_224 = arith.select %eq3A_219, %broadcast_in_dim3A_222, %broadcast_in_dim3A_223 : vector<16xi1>, vector<16xi32>
    %add3A_225 = arith.addi %add3A_185, %select_n3A_224 : vector<16xi32>
    %broadcast_in_dim3A_226 = arith.constant 21 : i32
    %broadcast_in_dim3A_227 = vector.broadcast %broadcast_in_dim3A_226 : i32 to vector<16xi32>
    %gather3A_228 = tpu.vector_load_idx %arg8[%broadcast_in_dim3A_227] : memref<64xi32, #tpu.memory_space<vmem>>[vector<16xi32>], vector<16xi32>,
    %eq3A_229 = arith.cmpi eq, %iota3A, %gather3A_228 : vector<16xi32>
    %jit3A_230 = arith.constant 1 : i32
    %jit3A_231 = arith.constant 0 : i32
    %broadcast_in_dim3A_232 = vector.broadcast %jit3A_230 : i32 to vector<16xi32>
    %broadcast_in_dim3A_233 = vector.broadcast %jit3A_231 : i32 to vector<16xi32>
    %select_n3A_234 = arith.select %eq3A_229, %broadcast_in_dim3A_232, %broadcast_in_dim3A_233 : vector<16xi1>, vector<16xi32>
    %add3A_235 = arith.addi %add3A_195, %select_n3A_234 : vector<16xi32>
    %broadcast_in_dim3A_236 = arith.constant 22 : i32
    %broadcast_in_dim3A_237 = vector.broadcast %broadcast_in_dim3A_236 : i32 to vector<16xi32>
    %gather3A_238 = tpu.vector_load_idx %arg8[%broadcast_in_dim3A_237] : memref<64xi32, #tpu.memory_space<vmem>>[vector<16xi32>], vector<16xi32>,
    %eq3A_239 = arith.cmpi eq, %iota3A, %gather3A_238 : vector<16xi32>
    %jit3A_240 = arith.constant 1 : i32
    %jit3A_241 = arith.constant 0 : i32
    %broadcast_in_dim3A_242 = vector.broadcast %jit3A_240 : i32 to vector<16xi32>
    %broadcast_in_dim3A_243 = vector.broadcast %jit3A_241 : i32 to vector<16xi32>
    %select_n3A_244 = arith.select %eq3A_239, %broadcast_in_dim3A_242, %broadcast_in_dim3A_243 : vector<16xi1>, vector<16xi32>
    %add3A_245 = arith.addi %add3A_205, %select_n3A_244 : vector<16xi32>
    %broadcast_in_dim3A_246 = arith.constant 23 : i32
    %broadcast_in_dim3A_247 = vector.broadcast %broadcast_in_dim3A_246 : i32 to vector<16xi32>
    %gather3A_248 = tpu.vector_load_idx %arg8[%broadcast_in_dim3A_247] : memref<64xi32, #tpu.memory_space<vmem>>[vector<16xi32>], vector<16xi32>,
    %eq3A_249 = arith.cmpi eq, %iota3A, %gather3A_248 : vector<16xi32>
    %jit3A_250 = arith.constant 1 : i32
    %jit3A_251 = arith.constant 0 : i32
    %broadcast_in_dim3A_252 = vector.broadcast %jit3A_250 : i32 to vector<16xi32>
    %broadcast_in_dim3A_253 = vector.broadcast %jit3A_251 : i32 to vector<16xi32>
    %select_n3A_254 = arith.select %eq3A_249, %broadcast_in_dim3A_252, %broadcast_in_dim3A_253 : vector<16xi1>, vector<16xi32>
    %add3A_255 = arith.addi %add3A_215, %select_n3A_254 : vector<16xi32>
    %broadcast_in_dim3A_256 = arith.constant 24 : i32
    %broadcast_in_dim3A_257 = vector.broadcast %broadcast_in_dim3A_256 : i32 to vector<16xi32>
    %gather3A_258 = tpu.vector_load_idx %arg8[%broadcast_in_dim3A_257] : memref<64xi32, #tpu.memory_space<vmem>>[vector<16xi32>], vector<16xi32>,
    %eq3A_259 = arith.cmpi eq, %iota3A, %gather3A_258 : vector<16xi32>
    %jit3A_260 = arith.constant 1 : i32
    %jit3A_261 = arith.constant 0 : i32
    %broadcast_in_dim3A_262 = vector.broadcast %jit3A_260 : i32 to vector<16xi32>
    %broadcast_in_dim3A_263 = vector.broadcast %jit3A_261 : i32 to vector<16xi32>
    %select_n3A_264 = arith.select %eq3A_259, %broadcast_in_dim3A_262, %broadcast_in_dim3A_263 : vector<16xi1>, vector<16xi32>
    %add3A_265 = arith.addi %add3A_225, %select_n3A_264 : vector<16xi32>
    %broadcast_in_dim3A_266 = arith.constant 25 : i32
    %broadcast_in_dim3A_267 = vector.broadcast %broadcast_in_dim3A_266 : i32 to vector<16xi32>
    %gather3A_268 = tpu.vector_load_idx %arg8[%broadcast_in_dim3A_267] : memref<64xi32, #tpu.memory_space<vmem>>[vector<16xi32>], vector<16xi32>,
    %eq3A_269 = arith.cmpi eq, %iota3A, %gather3A_268 : vector<16xi32>
    %jit3A_270 = arith.constant 1 : i32
    %jit3A_271 = arith.constant 0 : i32
    %broadcast_in_dim3A_272 = vector.broadcast %jit3A_270 : i32 to vector<16xi32>
    %broadcast_in_dim3A_273 = vector.broadcast %jit3A_271 : i32 to vector<16xi32>
    %select_n3A_274 = arith.select %eq3A_269, %broadcast_in_dim3A_272, %broadcast_in_dim3A_273 : vector<16xi1>, vector<16xi32>
    %add3A_275 = arith.addi %add3A_235, %select_n3A_274 : vector<16xi32>
    %broadcast_in_dim3A_276 = arith.constant 26 : i32
    %broadcast_in_dim3A_277 = vector.broadcast %broadcast_in_dim3A_276 : i32 to vector<16xi32>
    %gather3A_278 = tpu.vector_load_idx %arg8[%broadcast_in_dim3A_277] : memref<64xi32, #tpu.memory_space<vmem>>[vector<16xi32>], vector<16xi32>,
    %eq3A_279 = arith.cmpi eq, %iota3A, %gather3A_278 : vector<16xi32>
    %jit3A_280 = arith.constant 1 : i32
    %jit3A_281 = arith.constant 0 : i32
    %broadcast_in_dim3A_282 = vector.broadcast %jit3A_280 : i32 to vector<16xi32>
    %broadcast_in_dim3A_283 = vector.broadcast %jit3A_281 : i32 to vector<16xi32>
    %select_n3A_284 = arith.select %eq3A_279, %broadcast_in_dim3A_282, %broadcast_in_dim3A_283 : vector<16xi1>, vector<16xi32>
    %add3A_285 = arith.addi %add3A_245, %select_n3A_284 : vector<16xi32>
    %broadcast_in_dim3A_286 = arith.constant 27 : i32
    %broadcast_in_dim3A_287 = vector.broadcast %broadcast_in_dim3A_286 : i32 to vector<16xi32>
    %gather3A_288 = tpu.vector_load_idx %arg8[%broadcast_in_dim3A_287] : memref<64xi32, #tpu.memory_space<vmem>>[vector<16xi32>], vector<16xi32>,
    %eq3A_289 = arith.cmpi eq, %iota3A, %gather3A_288 : vector<16xi32>
    %jit3A_290 = arith.constant 1 : i32
    %jit3A_291 = arith.constant 0 : i32
    %broadcast_in_dim3A_292 = vector.broadcast %jit3A_290 : i32 to vector<16xi32>
    %broadcast_in_dim3A_293 = vector.broadcast %jit3A_291 : i32 to vector<16xi32>
    %select_n3A_294 = arith.select %eq3A_289, %broadcast_in_dim3A_292, %broadcast_in_dim3A_293 : vector<16xi1>, vector<16xi32>
    %add3A_295 = arith.addi %add3A_255, %select_n3A_294 : vector<16xi32>
    %broadcast_in_dim3A_296 = arith.constant 28 : i32
    %broadcast_in_dim3A_297 = vector.broadcast %broadcast_in_dim3A_296 : i32 to vector<16xi32>
    %gather3A_298 = tpu.vector_load_idx %arg8[%broadcast_in_dim3A_297] : memref<64xi32, #tpu.memory_space<vmem>>[vector<16xi32>], vector<16xi32>,
    %eq3A_299 = arith.cmpi eq, %iota3A, %gather3A_298 : vector<16xi32>
    %jit3A_300 = arith.constant 1 : i32
    %jit3A_301 = arith.constant 0 : i32
    %broadcast_in_dim3A_302 = vector.broadcast %jit3A_300 : i32 to vector<16xi32>
    %broadcast_in_dim3A_303 = vector.broadcast %jit3A_301 : i32 to vector<16xi32>
    %select_n3A_304 = arith.select %eq3A_299, %broadcast_in_dim3A_302, %broadcast_in_dim3A_303 : vector<16xi1>, vector<16xi32>
    %add3A_305 = arith.addi %add3A_265, %select_n3A_304 : vector<16xi32>
    %broadcast_in_dim3A_306 = arith.constant 29 : i32
    %broadcast_in_dim3A_307 = vector.broadcast %broadcast_in_dim3A_306 : i32 to vector<16xi32>
    %gather3A_308 = tpu.vector_load_idx %arg8[%broadcast_in_dim3A_307] : memref<64xi32, #tpu.memory_space<vmem>>[vector<16xi32>], vector<16xi32>,
    %eq3A_309 = arith.cmpi eq, %iota3A, %gather3A_308 : vector<16xi32>
    %jit3A_310 = arith.constant 1 : i32
    %jit3A_311 = arith.constant 0 : i32
    %broadcast_in_dim3A_312 = vector.broadcast %jit3A_310 : i32 to vector<16xi32>
    %broadcast_in_dim3A_313 = vector.broadcast %jit3A_311 : i32 to vector<16xi32>
    %select_n3A_314 = arith.select %eq3A_309, %broadcast_in_dim3A_312, %broadcast_in_dim3A_313 : vector<16xi1>, vector<16xi32>
    %add3A_315 = arith.addi %add3A_275, %select_n3A_314 : vector<16xi32>
    %broadcast_in_dim3A_316 = arith.constant 30 : i32
    %broadcast_in_dim3A_317 = vector.broadcast %broadcast_in_dim3A_316 : i32 to vector<16xi32>
    %gather3A_318 = tpu.vector_load_idx %arg8[%broadcast_in_dim3A_317] : memref<64xi32, #tpu.memory_space<vmem>>[vector<16xi32>], vector<16xi32>,
    %eq3A_319 = arith.cmpi eq, %iota3A, %gather3A_318 : vector<16xi32>
    %jit3A_320 = arith.constant 1 : i32
    %jit3A_321 = arith.constant 0 : i32
    %broadcast_in_dim3A_322 = vector.broadcast %jit3A_320 : i32 to vector<16xi32>
    %broadcast_in_dim3A_323 = vector.broadcast %jit3A_321 : i32 to vector<16xi32>
    %select_n3A_324 = arith.select %eq3A_319, %broadcast_in_dim3A_322, %broadcast_in_dim3A_323 : vector<16xi1>, vector<16xi32>
    %add3A_325 = arith.addi %add3A_285, %select_n3A_324 : vector<16xi32>
    %broadcast_in_dim3A_326 = arith.constant 31 : i32
    %broadcast_in_dim3A_327 = vector.broadcast %broadcast_in_dim3A_326 : i32 to vector<16xi32>
    %gather3A_328 = tpu.vector_load_idx %arg8[%broadcast_in_dim3A_327] : memref<64xi32, #tpu.memory_space<vmem>>[vector<16xi32>], vector<16xi32>,
    %eq3A_329 = arith.cmpi eq, %iota3A, %gather3A_328 : vector<16xi32>
    %jit3A_330 = arith.constant 1 : i32
    %jit3A_331 = arith.constant 0 : i32
    %broadcast_in_dim3A_332 = vector.broadcast %jit3A_330 : i32 to vector<16xi32>
    %broadcast_in_dim3A_333 = vector.broadcast %jit3A_331 : i32 to vector<16xi32>
    %select_n3A_334 = arith.select %eq3A_329, %broadcast_in_dim3A_332, %broadcast_in_dim3A_333 : vector<16xi1>, vector<16xi32>
    %add3A_335 = arith.addi %add3A_295, %select_n3A_334 : vector<16xi32>
    %broadcast_in_dim3A_336 = arith.constant 32 : i32
    %broadcast_in_dim3A_337 = vector.broadcast %broadcast_in_dim3A_336 : i32 to vector<16xi32>
    %gather3A_338 = tpu.vector_load_idx %arg8[%broadcast_in_dim3A_337] : memref<64xi32, #tpu.memory_space<vmem>>[vector<16xi32>], vector<16xi32>,
    %eq3A_339 = arith.cmpi eq, %iota3A, %gather3A_338 : vector<16xi32>
    %jit3A_340 = arith.constant 1 : i32
    %jit3A_341 = arith.constant 0 : i32
    %broadcast_in_dim3A_342 = vector.broadcast %jit3A_340 : i32 to vector<16xi32>
    %broadcast_in_dim3A_343 = vector.broadcast %jit3A_341 : i32 to vector<16xi32>
    %select_n3A_344 = arith.select %eq3A_339, %broadcast_in_dim3A_342, %broadcast_in_dim3A_343 : vector<16xi1>, vector<16xi32>
    %add3A_345 = arith.addi %add3A_305, %select_n3A_344 : vector<16xi32>
    %broadcast_in_dim3A_346 = arith.constant 33 : i32
    %broadcast_in_dim3A_347 = vector.broadcast %broadcast_in_dim3A_346 : i32 to vector<16xi32>
    %gather3A_348 = tpu.vector_load_idx %arg8[%broadcast_in_dim3A_347] : memref<64xi32, #tpu.memory_space<vmem>>[vector<16xi32>], vector<16xi32>,
    %eq3A_349 = arith.cmpi eq, %iota3A, %gather3A_348 : vector<16xi32>
    %jit3A_350 = arith.constant 1 : i32
    %jit3A_351 = arith.constant 0 : i32
    %broadcast_in_dim3A_352 = vector.broadcast %jit3A_350 : i32 to vector<16xi32>
    %broadcast_in_dim3A_353 = vector.broadcast %jit3A_351 : i32 to vector<16xi32>
    %select_n3A_354 = arith.select %eq3A_349, %broadcast_in_dim3A_352, %broadcast_in_dim3A_353 : vector<16xi1>, vector<16xi32>
    %add3A_355 = arith.addi %add3A_315, %select_n3A_354 : vector<16xi32>
    %broadcast_in_dim3A_356 = arith.constant 34 : i32
    %broadcast_in_dim3A_357 = vector.broadcast %broadcast_in_dim3A_356 : i32 to vector<16xi32>
    %gather3A_358 = tpu.vector_load_idx %arg8[%broadcast_in_dim3A_357] : memref<64xi32, #tpu.memory_space<vmem>>[vector<16xi32>], vector<16xi32>,
    %eq3A_359 = arith.cmpi eq, %iota3A, %gather3A_358 : vector<16xi32>
    %jit3A_360 = arith.constant 1 : i32
    %jit3A_361 = arith.constant 0 : i32
    %broadcast_in_dim3A_362 = vector.broadcast %jit3A_360 : i32 to vector<16xi32>
    %broadcast_in_dim3A_363 = vector.broadcast %jit3A_361 : i32 to vector<16xi32>
    %select_n3A_364 = arith.select %eq3A_359, %broadcast_in_dim3A_362, %broadcast_in_dim3A_363 : vector<16xi1>, vector<16xi32>
    %add3A_365 = arith.addi %add3A_325, %select_n3A_364 : vector<16xi32>
    %broadcast_in_dim3A_366 = arith.constant 35 : i32
    %broadcast_in_dim3A_367 = vector.broadcast %broadcast_in_dim3A_366 : i32 to vector<16xi32>
    %gather3A_368 = tpu.vector_load_idx %arg8[%broadcast_in_dim3A_367] : memref<64xi32, #tpu.memory_space<vmem>>[vector<16xi32>], vector<16xi32>,
    %eq3A_369 = arith.cmpi eq, %iota3A, %gather3A_368 : vector<16xi32>
    %jit3A_370 = arith.constant 1 : i32
    %jit3A_371 = arith.constant 0 : i32
    %broadcast_in_dim3A_372 = vector.broadcast %jit3A_370 : i32 to vector<16xi32>
    %broadcast_in_dim3A_373 = vector.broadcast %jit3A_371 : i32 to vector<16xi32>
    %select_n3A_374 = arith.select %eq3A_369, %broadcast_in_dim3A_372, %broadcast_in_dim3A_373 : vector<16xi1>, vector<16xi32>
    %add3A_375 = arith.addi %add3A_335, %select_n3A_374 : vector<16xi32>
    %broadcast_in_dim3A_376 = arith.constant 36 : i32
    %broadcast_in_dim3A_377 = vector.broadcast %broadcast_in_dim3A_376 : i32 to vector<16xi32>
    %gather3A_378 = tpu.vector_load_idx %arg8[%broadcast_in_dim3A_377] : memref<64xi32, #tpu.memory_space<vmem>>[vector<16xi32>], vector<16xi32>,
    %eq3A_379 = arith.cmpi eq, %iota3A, %gather3A_378 : vector<16xi32>
    %jit3A_380 = arith.constant 1 : i32
    %jit3A_381 = arith.constant 0 : i32
    %broadcast_in_dim3A_382 = vector.broadcast %jit3A_380 : i32 to vector<16xi32>
    %broadcast_in_dim3A_383 = vector.broadcast %jit3A_381 : i32 to vector<16xi32>
    %select_n3A_384 = arith.select %eq3A_379, %broadcast_in_dim3A_382, %broadcast_in_dim3A_383 : vector<16xi1>, vector<16xi32>
    %add3A_385 = arith.addi %add3A_345, %select_n3A_384 : vector<16xi32>
    %broadcast_in_dim3A_386 = arith.constant 37 : i32
    %broadcast_in_dim3A_387 = vector.broadcast %broadcast_in_dim3A_386 : i32 to vector<16xi32>
    %gather3A_388 = tpu.vector_load_idx %arg8[%broadcast_in_dim3A_387] : memref<64xi32, #tpu.memory_space<vmem>>[vector<16xi32>], vector<16xi32>,
    %eq3A_389 = arith.cmpi eq, %iota3A, %gather3A_388 : vector<16xi32>
    %jit3A_390 = arith.constant 1 : i32
    %jit3A_391 = arith.constant 0 : i32
    %broadcast_in_dim3A_392 = vector.broadcast %jit3A_390 : i32 to vector<16xi32>
    %broadcast_in_dim3A_393 = vector.broadcast %jit3A_391 : i32 to vector<16xi32>
    %select_n3A_394 = arith.select %eq3A_389, %broadcast_in_dim3A_392, %broadcast_in_dim3A_393 : vector<16xi1>, vector<16xi32>
    %add3A_395 = arith.addi %add3A_355, %select_n3A_394 : vector<16xi32>
    %broadcast_in_dim3A_396 = arith.constant 38 : i32
    %broadcast_in_dim3A_397 = vector.broadcast %broadcast_in_dim3A_396 : i32 to vector<16xi32>
    %gather3A_398 = tpu.vector_load_idx %arg8[%broadcast_in_dim3A_397] : memref<64xi32, #tpu.memory_space<vmem>>[vector<16xi32>], vector<16xi32>,
    %eq3A_399 = arith.cmpi eq, %iota3A, %gather3A_398 : vector<16xi32>
    %jit3A_400 = arith.constant 1 : i32
    %jit3A_401 = arith.constant 0 : i32
    %broadcast_in_dim3A_402 = vector.broadcast %jit3A_400 : i32 to vector<16xi32>
    %broadcast_in_dim3A_403 = vector.broadcast %jit3A_401 : i32 to vector<16xi32>
    %select_n3A_404 = arith.select %eq3A_399, %broadcast_in_dim3A_402, %broadcast_in_dim3A_403 : vector<16xi1>, vector<16xi32>
    %add3A_405 = arith.addi %add3A_365, %select_n3A_404 : vector<16xi32>
    %broadcast_in_dim3A_406 = arith.constant 39 : i32
    %broadcast_in_dim3A_407 = vector.broadcast %broadcast_in_dim3A_406 : i32 to vector<16xi32>
    %gather3A_408 = tpu.vector_load_idx %arg8[%broadcast_in_dim3A_407] : memref<64xi32, #tpu.memory_space<vmem>>[vector<16xi32>], vector<16xi32>,
    %eq3A_409 = arith.cmpi eq, %iota3A, %gather3A_408 : vector<16xi32>
    %jit3A_410 = arith.constant 1 : i32
    %jit3A_411 = arith.constant 0 : i32
    %broadcast_in_dim3A_412 = vector.broadcast %jit3A_410 : i32 to vector<16xi32>
    %broadcast_in_dim3A_413 = vector.broadcast %jit3A_411 : i32 to vector<16xi32>
    %select_n3A_414 = arith.select %eq3A_409, %broadcast_in_dim3A_412, %broadcast_in_dim3A_413 : vector<16xi1>, vector<16xi32>
    %add3A_415 = arith.addi %add3A_375, %select_n3A_414 : vector<16xi32>
    %broadcast_in_dim3A_416 = arith.constant 40 : i32
    %broadcast_in_dim3A_417 = vector.broadcast %broadcast_in_dim3A_416 : i32 to vector<16xi32>
    %gather3A_418 = tpu.vector_load_idx %arg8[%broadcast_in_dim3A_417] : memref<64xi32, #tpu.memory_space<vmem>>[vector<16xi32>], vector<16xi32>,
    %eq3A_419 = arith.cmpi eq, %iota3A, %gather3A_418 : vector<16xi32>
    %jit3A_420 = arith.constant 1 : i32
    %jit3A_421 = arith.constant 0 : i32
    %broadcast_in_dim3A_422 = vector.broadcast %jit3A_420 : i32 to vector<16xi32>
    %broadcast_in_dim3A_423 = vector.broadcast %jit3A_421 : i32 to vector<16xi32>
    %select_n3A_424 = arith.select %eq3A_419, %broadcast_in_dim3A_422, %broadcast_in_dim3A_423 : vector<16xi1>, vector<16xi32>
    %add3A_425 = arith.addi %add3A_385, %select_n3A_424 : vector<16xi32>
    %broadcast_in_dim3A_426 = arith.constant 41 : i32
    %broadcast_in_dim3A_427 = vector.broadcast %broadcast_in_dim3A_426 : i32 to vector<16xi32>
    %gather3A_428 = tpu.vector_load_idx %arg8[%broadcast_in_dim3A_427] : memref<64xi32, #tpu.memory_space<vmem>>[vector<16xi32>], vector<16xi32>,
    %eq3A_429 = arith.cmpi eq, %iota3A, %gather3A_428 : vector<16xi32>
    %jit3A_430 = arith.constant 1 : i32
    %jit3A_431 = arith.constant 0 : i32
    %broadcast_in_dim3A_432 = vector.broadcast %jit3A_430 : i32 to vector<16xi32>
    %broadcast_in_dim3A_433 = vector.broadcast %jit3A_431 : i32 to vector<16xi32>
    %select_n3A_434 = arith.select %eq3A_429, %broadcast_in_dim3A_432, %broadcast_in_dim3A_433 : vector<16xi1>, vector<16xi32>
    %add3A_435 = arith.addi %add3A_395, %select_n3A_434 : vector<16xi32>
    %broadcast_in_dim3A_436 = arith.constant 42 : i32
    %broadcast_in_dim3A_437 = vector.broadcast %broadcast_in_dim3A_436 : i32 to vector<16xi32>
    %gather3A_438 = tpu.vector_load_idx %arg8[%broadcast_in_dim3A_437] : memref<64xi32, #tpu.memory_space<vmem>>[vector<16xi32>], vector<16xi32>,
    %eq3A_439 = arith.cmpi eq, %iota3A, %gather3A_438 : vector<16xi32>
    %jit3A_440 = arith.constant 1 : i32
    %jit3A_441 = arith.constant 0 : i32
    %broadcast_in_dim3A_442 = vector.broadcast %jit3A_440 : i32 to vector<16xi32>
    %broadcast_in_dim3A_443 = vector.broadcast %jit3A_441 : i32 to vector<16xi32>
    %select_n3A_444 = arith.select %eq3A_439, %broadcast_in_dim3A_442, %broadcast_in_dim3A_443 : vector<16xi1>, vector<16xi32>
    %add3A_445 = arith.addi %add3A_405, %select_n3A_444 : vector<16xi32>
    %broadcast_in_dim3A_446 = arith.constant 43 : i32
    %broadcast_in_dim3A_447 = vector.broadcast %broadcast_in_dim3A_446 : i32 to vector<16xi32>
    %gather3A_448 = tpu.vector_load_idx %arg8[%broadcast_in_dim3A_447] : memref<64xi32, #tpu.memory_space<vmem>>[vector<16xi32>], vector<16xi32>,
    %eq3A_449 = arith.cmpi eq, %iota3A, %gather3A_448 : vector<16xi32>
    %jit3A_450 = arith.constant 1 : i32
    %jit3A_451 = arith.constant 0 : i32
    %broadcast_in_dim3A_452 = vector.broadcast %jit3A_450 : i32 to vector<16xi32>
    %broadcast_in_dim3A_453 = vector.broadcast %jit3A_451 : i32 to vector<16xi32>
    %select_n3A_454 = arith.select %eq3A_449, %broadcast_in_dim3A_452, %broadcast_in_dim3A_453 : vector<16xi1>, vector<16xi32>
    %add3A_455 = arith.addi %add3A_415, %select_n3A_454 : vector<16xi32>
    %broadcast_in_dim3A_456 = arith.constant 44 : i32
    %broadcast_in_dim3A_457 = vector.broadcast %broadcast_in_dim3A_456 : i32 to vector<16xi32>
    %gather3A_458 = tpu.vector_load_idx %arg8[%broadcast_in_dim3A_457] : memref<64xi32, #tpu.memory_space<vmem>>[vector<16xi32>], vector<16xi32>,
    %eq3A_459 = arith.cmpi eq, %iota3A, %gather3A_458 : vector<16xi32>
    %jit3A_460 = arith.constant 1 : i32
    %jit3A_461 = arith.constant 0 : i32
    %broadcast_in_dim3A_462 = vector.broadcast %jit3A_460 : i32 to vector<16xi32>
    %broadcast_in_dim3A_463 = vector.broadcast %jit3A_461 : i32 to vector<16xi32>
    %select_n3A_464 = arith.select %eq3A_459, %broadcast_in_dim3A_462, %broadcast_in_dim3A_463 : vector<16xi1>, vector<16xi32>
    %add3A_465 = arith.addi %add3A_425, %select_n3A_464 : vector<16xi32>
    %broadcast_in_dim3A_466 = arith.constant 45 : i32
    %broadcast_in_dim3A_467 = vector.broadcast %broadcast_in_dim3A_466 : i32 to vector<16xi32>
    %gather3A_468 = tpu.vector_load_idx %arg8[%broadcast_in_dim3A_467] : memref<64xi32, #tpu.memory_space<vmem>>[vector<16xi32>], vector<16xi32>,
    %eq3A_469 = arith.cmpi eq, %iota3A, %gather3A_468 : vector<16xi32>
    %jit3A_470 = arith.constant 1 : i32
    %jit3A_471 = arith.constant 0 : i32
    %broadcast_in_dim3A_472 = vector.broadcast %jit3A_470 : i32 to vector<16xi32>
    %broadcast_in_dim3A_473 = vector.broadcast %jit3A_471 : i32 to vector<16xi32>
    %select_n3A_474 = arith.select %eq3A_469, %broadcast_in_dim3A_472, %broadcast_in_dim3A_473 : vector<16xi1>, vector<16xi32>
    %add3A_475 = arith.addi %add3A_435, %select_n3A_474 : vector<16xi32>
    %broadcast_in_dim3A_476 = arith.constant 46 : i32
    %broadcast_in_dim3A_477 = vector.broadcast %broadcast_in_dim3A_476 : i32 to vector<16xi32>
    %gather3A_478 = tpu.vector_load_idx %arg8[%broadcast_in_dim3A_477] : memref<64xi32, #tpu.memory_space<vmem>>[vector<16xi32>], vector<16xi32>,
    %eq3A_479 = arith.cmpi eq, %iota3A, %gather3A_478 : vector<16xi32>
    %jit3A_480 = arith.constant 1 : i32
    %jit3A_481 = arith.constant 0 : i32
    %broadcast_in_dim3A_482 = vector.broadcast %jit3A_480 : i32 to vector<16xi32>
    %broadcast_in_dim3A_483 = vector.broadcast %jit3A_481 : i32 to vector<16xi32>
    %select_n3A_484 = arith.select %eq3A_479, %broadcast_in_dim3A_482, %broadcast_in_dim3A_483 : vector<16xi1>, vector<16xi32>
    %add3A_485 = arith.addi %add3A_445, %select_n3A_484 : vector<16xi32>
    %broadcast_in_dim3A_486 = arith.constant 47 : i32
    %broadcast_in_dim3A_487 = vector.broadcast %broadcast_in_dim3A_486 : i32 to vector<16xi32>
    %gather3A_488 = tpu.vector_load_idx %arg8[%broadcast_in_dim3A_487] : memref<64xi32, #tpu.memory_space<vmem>>[vector<16xi32>], vector<16xi32>,
    %eq3A_489 = arith.cmpi eq, %iota3A, %gather3A_488 : vector<16xi32>
    %jit3A_490 = arith.constant 1 : i32
    %jit3A_491 = arith.constant 0 : i32
    %broadcast_in_dim3A_492 = vector.broadcast %jit3A_490 : i32 to vector<16xi32>
    %broadcast_in_dim3A_493 = vector.broadcast %jit3A_491 : i32 to vector<16xi32>
    %select_n3A_494 = arith.select %eq3A_489, %broadcast_in_dim3A_492, %broadcast_in_dim3A_493 : vector<16xi1>, vector<16xi32>
    %add3A_495 = arith.addi %add3A_455, %select_n3A_494 : vector<16xi32>
    %broadcast_in_dim3A_496 = arith.constant 48 : i32
    %broadcast_in_dim3A_497 = vector.broadcast %broadcast_in_dim3A_496 : i32 to vector<16xi32>
    %gather3A_498 = tpu.vector_load_idx %arg8[%broadcast_in_dim3A_497] : memref<64xi32, #tpu.memory_space<vmem>>[vector<16xi32>], vector<16xi32>,
    %eq3A_499 = arith.cmpi eq, %iota3A, %gather3A_498 : vector<16xi32>
    %jit3A_500 = arith.constant 1 : i32
    %jit3A_501 = arith.constant 0 : i32
    %broadcast_in_dim3A_502 = vector.broadcast %jit3A_500 : i32 to vector<16xi32>
    %broadcast_in_dim3A_503 = vector.broadcast %jit3A_501 : i32 to vector<16xi32>
    %select_n3A_504 = arith.select %eq3A_499, %broadcast_in_dim3A_502, %broadcast_in_dim3A_503 : vector<16xi1>, vector<16xi32>
    %add3A_505 = arith.addi %add3A_465, %select_n3A_504 : vector<16xi32>
    %broadcast_in_dim3A_506 = arith.constant 49 : i32
    %broadcast_in_dim3A_507 = vector.broadcast %broadcast_in_dim3A_506 : i32 to vector<16xi32>
    %gather3A_508 = tpu.vector_load_idx %arg8[%broadcast_in_dim3A_507] : memref<64xi32, #tpu.memory_space<vmem>>[vector<16xi32>], vector<16xi32>,
    %eq3A_509 = arith.cmpi eq, %iota3A, %gather3A_508 : vector<16xi32>
    %jit3A_510 = arith.constant 1 : i32
    %jit3A_511 = arith.constant 0 : i32
    %broadcast_in_dim3A_512 = vector.broadcast %jit3A_510 : i32 to vector<16xi32>
    %broadcast_in_dim3A_513 = vector.broadcast %jit3A_511 : i32 to vector<16xi32>
    %select_n3A_514 = arith.select %eq3A_509, %broadcast_in_dim3A_512, %broadcast_in_dim3A_513 : vector<16xi1>, vector<16xi32>
    %add3A_515 = arith.addi %add3A_475, %select_n3A_514 : vector<16xi32>
    %broadcast_in_dim3A_516 = arith.constant 50 : i32
    %broadcast_in_dim3A_517 = vector.broadcast %broadcast_in_dim3A_516 : i32 to vector<16xi32>
    %gather3A_518 = tpu.vector_load_idx %arg8[%broadcast_in_dim3A_517] : memref<64xi32, #tpu.memory_space<vmem>>[vector<16xi32>], vector<16xi32>,
    %eq3A_519 = arith.cmpi eq, %iota3A, %gather3A_518 : vector<16xi32>
    %jit3A_520 = arith.constant 1 : i32
    %jit3A_521 = arith.constant 0 : i32
    %broadcast_in_dim3A_522 = vector.broadcast %jit3A_520 : i32 to vector<16xi32>
    %broadcast_in_dim3A_523 = vector.broadcast %jit3A_521 : i32 to vector<16xi32>
    %select_n3A_524 = arith.select %eq3A_519, %broadcast_in_dim3A_522, %broadcast_in_dim3A_523 : vector<16xi1>, vector<16xi32>
    %add3A_525 = arith.addi %add3A_485, %select_n3A_524 : vector<16xi32>
    %broadcast_in_dim3A_526 = arith.constant 51 : i32
    %broadcast_in_dim3A_527 = vector.broadcast %broadcast_in_dim3A_526 : i32 to vector<16xi32>
    %gather3A_528 = tpu.vector_load_idx %arg8[%broadcast_in_dim3A_527] : memref<64xi32, #tpu.memory_space<vmem>>[vector<16xi32>], vector<16xi32>,
    %eq3A_529 = arith.cmpi eq, %iota3A, %gather3A_528 : vector<16xi32>
    %jit3A_530 = arith.constant 1 : i32
    %jit3A_531 = arith.constant 0 : i32
    %broadcast_in_dim3A_532 = vector.broadcast %jit3A_530 : i32 to vector<16xi32>
    %broadcast_in_dim3A_533 = vector.broadcast %jit3A_531 : i32 to vector<16xi32>
    %select_n3A_534 = arith.select %eq3A_529, %broadcast_in_dim3A_532, %broadcast_in_dim3A_533 : vector<16xi1>, vector<16xi32>
    %add3A_535 = arith.addi %add3A_495, %select_n3A_534 : vector<16xi32>
    %broadcast_in_dim3A_536 = arith.constant 52 : i32
    %broadcast_in_dim3A_537 = vector.broadcast %broadcast_in_dim3A_536 : i32 to vector<16xi32>
    %gather3A_538 = tpu.vector_load_idx %arg8[%broadcast_in_dim3A_537] : memref<64xi32, #tpu.memory_space<vmem>>[vector<16xi32>], vector<16xi32>,
    %eq3A_539 = arith.cmpi eq, %iota3A, %gather3A_538 : vector<16xi32>
    %jit3A_540 = arith.constant 1 : i32
    %jit3A_541 = arith.constant 0 : i32
    %broadcast_in_dim3A_542 = vector.broadcast %jit3A_540 : i32 to vector<16xi32>
    %broadcast_in_dim3A_543 = vector.broadcast %jit3A_541 : i32 to vector<16xi32>
    %select_n3A_544 = arith.select %eq3A_539, %broadcast_in_dim3A_542, %broadcast_in_dim3A_543 : vector<16xi1>, vector<16xi32>
    %add3A_545 = arith.addi %add3A_505, %select_n3A_544 : vector<16xi32>
    %broadcast_in_dim3A_546 = arith.constant 53 : i32
    %broadcast_in_dim3A_547 = vector.broadcast %broadcast_in_dim3A_546 : i32 to vector<16xi32>
    %gather3A_548 = tpu.vector_load_idx %arg8[%broadcast_in_dim3A_547] : memref<64xi32, #tpu.memory_space<vmem>>[vector<16xi32>], vector<16xi32>,
    %eq3A_549 = arith.cmpi eq, %iota3A, %gather3A_548 : vector<16xi32>
    %jit3A_550 = arith.constant 1 : i32
    %jit3A_551 = arith.constant 0 : i32
    %broadcast_in_dim3A_552 = vector.broadcast %jit3A_550 : i32 to vector<16xi32>
    %broadcast_in_dim3A_553 = vector.broadcast %jit3A_551 : i32 to vector<16xi32>
    %select_n3A_554 = arith.select %eq3A_549, %broadcast_in_dim3A_552, %broadcast_in_dim3A_553 : vector<16xi1>, vector<16xi32>
    %add3A_555 = arith.addi %add3A_515, %select_n3A_554 : vector<16xi32>
    %broadcast_in_dim3A_556 = arith.constant 54 : i32
    %broadcast_in_dim3A_557 = vector.broadcast %broadcast_in_dim3A_556 : i32 to vector<16xi32>
    %gather3A_558 = tpu.vector_load_idx %arg8[%broadcast_in_dim3A_557] : memref<64xi32, #tpu.memory_space<vmem>>[vector<16xi32>], vector<16xi32>,
    %eq3A_559 = arith.cmpi eq, %iota3A, %gather3A_558 : vector<16xi32>
    %jit3A_560 = arith.constant 1 : i32
    %jit3A_561 = arith.constant 0 : i32
    %broadcast_in_dim3A_562 = vector.broadcast %jit3A_560 : i32 to vector<16xi32>
    %broadcast_in_dim3A_563 = vector.broadcast %jit3A_561 : i32 to vector<16xi32>
    %select_n3A_564 = arith.select %eq3A_559, %broadcast_in_dim3A_562, %broadcast_in_dim3A_563 : vector<16xi1>, vector<16xi32>
    %add3A_565 = arith.addi %add3A_525, %select_n3A_564 : vector<16xi32>
    %broadcast_in_dim3A_566 = arith.constant 55 : i32
    %broadcast_in_dim3A_567 = vector.broadcast %broadcast_in_dim3A_566 : i32 to vector<16xi32>
    %gather3A_568 = tpu.vector_load_idx %arg8[%broadcast_in_dim3A_567] : memref<64xi32, #tpu.memory_space<vmem>>[vector<16xi32>], vector<16xi32>,
    %eq3A_569 = arith.cmpi eq, %iota3A, %gather3A_568 : vector<16xi32>
    %jit3A_570 = arith.constant 1 : i32
    %jit3A_571 = arith.constant 0 : i32
    %broadcast_in_dim3A_572 = vector.broadcast %jit3A_570 : i32 to vector<16xi32>
    %broadcast_in_dim3A_573 = vector.broadcast %jit3A_571 : i32 to vector<16xi32>
    %select_n3A_574 = arith.select %eq3A_569, %broadcast_in_dim3A_572, %broadcast_in_dim3A_573 : vector<16xi1>, vector<16xi32>
    %add3A_575 = arith.addi %add3A_535, %select_n3A_574 : vector<16xi32>
    %broadcast_in_dim3A_576 = arith.constant 56 : i32
    %broadcast_in_dim3A_577 = vector.broadcast %broadcast_in_dim3A_576 : i32 to vector<16xi32>
    %gather3A_578 = tpu.vector_load_idx %arg8[%broadcast_in_dim3A_577] : memref<64xi32, #tpu.memory_space<vmem>>[vector<16xi32>], vector<16xi32>,
    %eq3A_579 = arith.cmpi eq, %iota3A, %gather3A_578 : vector<16xi32>
    %jit3A_580 = arith.constant 1 : i32
    %jit3A_581 = arith.constant 0 : i32
    %broadcast_in_dim3A_582 = vector.broadcast %jit3A_580 : i32 to vector<16xi32>
    %broadcast_in_dim3A_583 = vector.broadcast %jit3A_581 : i32 to vector<16xi32>
    %select_n3A_584 = arith.select %eq3A_579, %broadcast_in_dim3A_582, %broadcast_in_dim3A_583 : vector<16xi1>, vector<16xi32>
    %add3A_585 = arith.addi %add3A_545, %select_n3A_584 : vector<16xi32>
    %broadcast_in_dim3A_586 = arith.constant 57 : i32
    %broadcast_in_dim3A_587 = vector.broadcast %broadcast_in_dim3A_586 : i32 to vector<16xi32>
    %gather3A_588 = tpu.vector_load_idx %arg8[%broadcast_in_dim3A_587] : memref<64xi32, #tpu.memory_space<vmem>>[vector<16xi32>], vector<16xi32>,
    %eq3A_589 = arith.cmpi eq, %iota3A, %gather3A_588 : vector<16xi32>
    %jit3A_590 = arith.constant 1 : i32
    %jit3A_591 = arith.constant 0 : i32
    %broadcast_in_dim3A_592 = vector.broadcast %jit3A_590 : i32 to vector<16xi32>
    %broadcast_in_dim3A_593 = vector.broadcast %jit3A_591 : i32 to vector<16xi32>
    %select_n3A_594 = arith.select %eq3A_589, %broadcast_in_dim3A_592, %broadcast_in_dim3A_593 : vector<16xi1>, vector<16xi32>
    %add3A_595 = arith.addi %add3A_555, %select_n3A_594 : vector<16xi32>
    %broadcast_in_dim3A_596 = arith.constant 58 : i32
    %broadcast_in_dim3A_597 = vector.broadcast %broadcast_in_dim3A_596 : i32 to vector<16xi32>
    %gather3A_598 = tpu.vector_load_idx %arg8[%broadcast_in_dim3A_597] : memref<64xi32, #tpu.memory_space<vmem>>[vector<16xi32>], vector<16xi32>,
    %eq3A_599 = arith.cmpi eq, %iota3A, %gather3A_598 : vector<16xi32>
    %jit3A_600 = arith.constant 1 : i32
    %jit3A_601 = arith.constant 0 : i32
    %broadcast_in_dim3A_602 = vector.broadcast %jit3A_600 : i32 to vector<16xi32>
    %broadcast_in_dim3A_603 = vector.broadcast %jit3A_601 : i32 to vector<16xi32>
    %select_n3A_604 = arith.select %eq3A_599, %broadcast_in_dim3A_602, %broadcast_in_dim3A_603 : vector<16xi1>, vector<16xi32>
    %add3A_605 = arith.addi %add3A_565, %select_n3A_604 : vector<16xi32>
    %broadcast_in_dim3A_606 = arith.constant 59 : i32
    %broadcast_in_dim3A_607 = vector.broadcast %broadcast_in_dim3A_606 : i32 to vector<16xi32>
    %gather3A_608 = tpu.vector_load_idx %arg8[%broadcast_in_dim3A_607] : memref<64xi32, #tpu.memory_space<vmem>>[vector<16xi32>], vector<16xi32>,
    %eq3A_609 = arith.cmpi eq, %iota3A, %gather3A_608 : vector<16xi32>
    %jit3A_610 = arith.constant 1 : i32
    %jit3A_611 = arith.constant 0 : i32
    %broadcast_in_dim3A_612 = vector.broadcast %jit3A_610 : i32 to vector<16xi32>
    %broadcast_in_dim3A_613 = vector.broadcast %jit3A_611 : i32 to vector<16xi32>
    %select_n3A_614 = arith.select %eq3A_609, %broadcast_in_dim3A_612, %broadcast_in_dim3A_613 : vector<16xi1>, vector<16xi32>
    %add3A_615 = arith.addi %add3A_575, %select_n3A_614 : vector<16xi32>
    %broadcast_in_dim3A_616 = arith.constant 60 : i32
    %broadcast_in_dim3A_617 = vector.broadcast %broadcast_in_dim3A_616 : i32 to vector<16xi32>
    %gather3A_618 = tpu.vector_load_idx %arg8[%broadcast_in_dim3A_617] : memref<64xi32, #tpu.memory_space<vmem>>[vector<16xi32>], vector<16xi32>,
    %eq3A_619 = arith.cmpi eq, %iota3A, %gather3A_618 : vector<16xi32>
    %jit3A_620 = arith.constant 1 : i32
    %jit3A_621 = arith.constant 0 : i32
    %broadcast_in_dim3A_622 = vector.broadcast %jit3A_620 : i32 to vector<16xi32>
    %broadcast_in_dim3A_623 = vector.broadcast %jit3A_621 : i32 to vector<16xi32>
    %select_n3A_624 = arith.select %eq3A_619, %broadcast_in_dim3A_622, %broadcast_in_dim3A_623 : vector<16xi1>, vector<16xi32>
    %add3A_625 = arith.addi %add3A_585, %select_n3A_624 : vector<16xi32>
    %broadcast_in_dim3A_626 = arith.constant 61 : i32
    %broadcast_in_dim3A_627 = vector.broadcast %broadcast_in_dim3A_626 : i32 to vector<16xi32>
    %gather3A_628 = tpu.vector_load_idx %arg8[%broadcast_in_dim3A_627] : memref<64xi32, #tpu.memory_space<vmem>>[vector<16xi32>], vector<16xi32>,
    %eq3A_629 = arith.cmpi eq, %iota3A, %gather3A_628 : vector<16xi32>
    %jit3A_630 = arith.constant 1 : i32
    %jit3A_631 = arith.constant 0 : i32
    %broadcast_in_dim3A_632 = vector.broadcast %jit3A_630 : i32 to vector<16xi32>
    %broadcast_in_dim3A_633 = vector.broadcast %jit3A_631 : i32 to vector<16xi32>
    %select_n3A_634 = arith.select %eq3A_629, %broadcast_in_dim3A_632, %broadcast_in_dim3A_633 : vector<16xi1>, vector<16xi32>
    %add3A_635 = arith.addi %add3A_595, %select_n3A_634 : vector<16xi32>
    %broadcast_in_dim3A_636 = arith.constant 62 : i32
    %broadcast_in_dim3A_637 = vector.broadcast %broadcast_in_dim3A_636 : i32 to vector<16xi32>
    %gather3A_638 = tpu.vector_load_idx %arg8[%broadcast_in_dim3A_637] : memref<64xi32, #tpu.memory_space<vmem>>[vector<16xi32>], vector<16xi32>,
    %eq3A_639 = arith.cmpi eq, %iota3A, %gather3A_638 : vector<16xi32>
    %jit3A_640 = arith.constant 1 : i32
    %jit3A_641 = arith.constant 0 : i32
    %broadcast_in_dim3A_642 = vector.broadcast %jit3A_640 : i32 to vector<16xi32>
    %broadcast_in_dim3A_643 = vector.broadcast %jit3A_641 : i32 to vector<16xi32>
    %select_n3A_644 = arith.select %eq3A_639, %broadcast_in_dim3A_642, %broadcast_in_dim3A_643 : vector<16xi1>, vector<16xi32>
    %add3A_645 = arith.addi %add3A_605, %select_n3A_644 : vector<16xi32>
    %broadcast_in_dim3A_646 = arith.constant 63 : i32
    %broadcast_in_dim3A_647 = vector.broadcast %broadcast_in_dim3A_646 : i32 to vector<16xi32>
    %gather3A_648 = tpu.vector_load_idx %arg8[%broadcast_in_dim3A_647] : memref<64xi32, #tpu.memory_space<vmem>>[vector<16xi32>], vector<16xi32>,
    %eq3A_649 = arith.cmpi eq, %iota3A, %gather3A_648 : vector<16xi32>
    %jit3A_650 = arith.constant 1 : i32
    %jit3A_651 = arith.constant 0 : i32
    %broadcast_in_dim3A_652 = vector.broadcast %jit3A_650 : i32 to vector<16xi32>
    %broadcast_in_dim3A_653 = vector.broadcast %jit3A_651 : i32 to vector<16xi32>
    %select_n3A_654 = arith.select %eq3A_649, %broadcast_in_dim3A_652, %broadcast_in_dim3A_653 : vector<16xi1>, vector<16xi32>
    %add3A_655 = arith.addi %add3A_615, %select_n3A_654 : vector<16xi32>
    %add3A_656 = arith.addi %add3A_625, %add3A_635 : vector<16xi32>
    %add3A_657 = arith.addi %add3A_656, %add3A_645 : vector<16xi32>
    %add3A_658 = arith.addi %add3A_657, %add3A_655 : vector<16xi32>
    %convert_element_type3A_659 = arith.sitofp %add3A_658 : vector<16xi32> to vector<16xf32>
    %swap3A = arith.constant 0 : index
    %swap3A_660 = tpu.vector_load %arg9[%swap3A] {strides = array<i32>} : memref<16xf32, #tpu.memory_space<vmem>>, vector<16xf32>,
    tpu.vector_store %arg9[%swap3A], %convert_element_type3A_659 {strides = array<i32>} : memref<16xf32, #tpu.memory_space<vmem>>, vector<16xf32>,
    tpu.wait_dma2 semaphore(%arg18 : memref<!tpu.dma_semaphore, #tpu.memory_space<semaphore_mem>>) src(%arg2 : memref<8192xf32, #tpu.memory_space<hbm>>) dst(%arg7 : memref<8192xf32, #tpu.memory_space<vmem>>)
    %parallel_loop3A = arith.constant 0 : i32
    %parallel_loop3A_661 = arith.constant 128 : i32
    %parallel_loop3A_662 = arith.constant 1 : i32
    %parallel_loop3A_663:8 = scf.for %parallel_loop3A_1154 = %parallel_loop3A to %parallel_loop3A_661 step %parallel_loop3A_662 iter_args(%parallel_loop3A_1155 = %broadcast_in_dim3A_5, %parallel_loop3A_1156 = %broadcast_in_dim3A_5, %parallel_loop3A_1157 = %broadcast_in_dim3A_5, %parallel_loop3A_1158 = %broadcast_in_dim3A_5, %parallel_loop3A_1159 = %broadcast_in_dim3A_5, %parallel_loop3A_1160 = %broadcast_in_dim3A_5, %parallel_loop3A_1161 = %broadcast_in_dim3A_5, %parallel_loop3A_1162 = %broadcast_in_dim3A_5) -> (vector<16xf32>, vector<16xf32>, vector<16xf32>, vector<16xf32>, vector<16xf32>, vector<16xf32>, vector<16xf32>, vector<16xf32>)  : i32 {
      %parallel_loop3A_1163 = arith.constant 64 : i32
      %parallel_loop3A_1164 = arith.muli %parallel_loop3A_1154, %parallel_loop3A_1163 : i32
      %parallel_loop3A_1165 = arith.addi %parallel_loop3A_1164, %mul3A_2 : i32
      %parallel_loop3A_1166 = vector.broadcast %parallel_loop3A_1165 : i32 to vector<16xi32>
      %parallel_loop3A_1167 = tpu.vector_load_idx %arg7[%parallel_loop3A_1166] : memref<8192xf32, #tpu.memory_space<vmem>>[vector<16xi32>], vector<16xf32>,
      %parallel_loop3A_1168 = arith.addi %parallel_loop3A_1164, %add3A_4 : i32
      %parallel_loop3A_1169 = vector.broadcast %parallel_loop3A_1168 : i32 to vector<16xi32>
      %parallel_loop3A_1170 = tpu.vector_load_idx %arg7[%parallel_loop3A_1169] : memref<8192xf32, #tpu.memory_space<vmem>>[vector<16xi32>], vector<16xf32>,
      %parallel_loop3A_1171 = arith.constant 0 : i32
      %parallel_loop3A_1172 = arith.addi %parallel_loop3A_1164, %parallel_loop3A_1171 : i32
      %parallel_loop3A_1173 = arith.index_cast %parallel_loop3A_1172 : i32 to index
      %parallel_loop3A_1174 = tpu.vector_load %arg7[%parallel_loop3A_1173] {strides = array<i32>} : memref<8192xf32, #tpu.memory_space<vmem>>, vector<16xf32>,
      %parallel_loop3A_1175 = arith.subf %parallel_loop3A_1174, %parallel_loop3A_1167 : vector<16xf32>
      %parallel_loop3A_1176 = arith.subf %parallel_loop3A_1174, %parallel_loop3A_1170 : vector<16xf32>
      %parallel_loop3A_1177 = arith.mulf %parallel_loop3A_1175, %parallel_loop3A_1175 : vector<16xf32>
      %parallel_loop3A_1178 = arith.addf %parallel_loop3A_1155, %parallel_loop3A_1177 : vector<16xf32>
      %parallel_loop3A_1179 = arith.mulf %parallel_loop3A_1176, %parallel_loop3A_1176 : vector<16xf32>
      %parallel_loop3A_1180 = arith.addf %parallel_loop3A_1159, %parallel_loop3A_1179 : vector<16xf32>
      %parallel_loop3A_1181 = arith.constant 16 : i32
      %parallel_loop3A_1182 = arith.addi %parallel_loop3A_1164, %parallel_loop3A_1181 : i32
      %parallel_loop3A_1183 = arith.index_cast %parallel_loop3A_1182 : i32 to index
      %parallel_loop3A_1184 = tpu.vector_load %arg7[%parallel_loop3A_1183] {strides = array<i32>} : memref<8192xf32, #tpu.memory_space<vmem>>, vector<16xf32>,
      %parallel_loop3A_1185 = arith.subf %parallel_loop3A_1184, %parallel_loop3A_1167 : vector<16xf32>
      %parallel_loop3A_1186 = arith.subf %parallel_loop3A_1184, %parallel_loop3A_1170 : vector<16xf32>
      %parallel_loop3A_1187 = arith.mulf %parallel_loop3A_1185, %parallel_loop3A_1185 : vector<16xf32>
      %parallel_loop3A_1188 = arith.addf %parallel_loop3A_1156, %parallel_loop3A_1187 : vector<16xf32>
      %parallel_loop3A_1189 = arith.mulf %parallel_loop3A_1186, %parallel_loop3A_1186 : vector<16xf32>
      %parallel_loop3A_1190 = arith.addf %parallel_loop3A_1160, %parallel_loop3A_1189 : vector<16xf32>
      %parallel_loop3A_1191 = arith.constant 32 : i32
      %parallel_loop3A_1192 = arith.addi %parallel_loop3A_1164, %parallel_loop3A_1191 : i32
      %parallel_loop3A_1193 = arith.index_cast %parallel_loop3A_1192 : i32 to index
      %parallel_loop3A_1194 = tpu.vector_load %arg7[%parallel_loop3A_1193] {strides = array<i32>} : memref<8192xf32, #tpu.memory_space<vmem>>, vector<16xf32>,
      %parallel_loop3A_1195 = arith.subf %parallel_loop3A_1194, %parallel_loop3A_1167 : vector<16xf32>
      %parallel_loop3A_1196 = arith.subf %parallel_loop3A_1194, %parallel_loop3A_1170 : vector<16xf32>
      %parallel_loop3A_1197 = arith.mulf %parallel_loop3A_1195, %parallel_loop3A_1195 : vector<16xf32>
      %parallel_loop3A_1198 = arith.addf %parallel_loop3A_1157, %parallel_loop3A_1197 : vector<16xf32>
      %parallel_loop3A_1199 = arith.mulf %parallel_loop3A_1196, %parallel_loop3A_1196 : vector<16xf32>
      %parallel_loop3A_1200 = arith.addf %parallel_loop3A_1161, %parallel_loop3A_1199 : vector<16xf32>
      %parallel_loop3A_1201 = arith.constant 48 : i32
      %parallel_loop3A_1202 = arith.addi %parallel_loop3A_1164, %parallel_loop3A_1201 : i32
      %parallel_loop3A_1203 = arith.index_cast %parallel_loop3A_1202 : i32 to index
      %parallel_loop3A_1204 = tpu.vector_load %arg7[%parallel_loop3A_1203] {strides = array<i32>} : memref<8192xf32, #tpu.memory_space<vmem>>, vector<16xf32>,
      %parallel_loop3A_1205 = arith.subf %parallel_loop3A_1204, %parallel_loop3A_1167 : vector<16xf32>
      %parallel_loop3A_1206 = arith.subf %parallel_loop3A_1204, %parallel_loop3A_1170 : vector<16xf32>
      %parallel_loop3A_1207 = arith.mulf %parallel_loop3A_1205, %parallel_loop3A_1205 : vector<16xf32>
      %parallel_loop3A_1208 = arith.addf %parallel_loop3A_1158, %parallel_loop3A_1207 : vector<16xf32>
      %parallel_loop3A_1209 = arith.mulf %parallel_loop3A_1206, %parallel_loop3A_1206 : vector<16xf32>
      %parallel_loop3A_1210 = arith.addf %parallel_loop3A_1162, %parallel_loop3A_1209 : vector<16xf32>
      scf.yield %parallel_loop3A_1178, %parallel_loop3A_1188, %parallel_loop3A_1198, %parallel_loop3A_1208, %parallel_loop3A_1180, %parallel_loop3A_1190, %parallel_loop3A_1200, %parallel_loop3A_1210 : vector<16xf32>, vector<16xf32>, vector<16xf32>, vector<16xf32>, vector<16xf32>, vector<16xf32>, vector<16xf32>, vector<16xf32>
    } {sc.loop_unroll_factor = 2 : i64, sc.parallel_access}
    %swap3A_664 = arith.constant 0 : index
    %swap3A_665 = tpu.vector_load %arg10[%swap3A_664] {strides = array<i32>} : memref<128xf32, #tpu.memory_space<vmem>>, vector<16xf32>,
    tpu.vector_store %arg10[%swap3A_664], %parallel_loop3A_663#0 {strides = array<i32>} : memref<128xf32, #tpu.memory_space<vmem>>, vector<16xf32>,
    %swap3A_666 = arith.constant 64 : index
    %swap3A_667 = tpu.vector_load %arg10[%swap3A_666] {strides = array<i32>} : memref<128xf32, #tpu.memory_space<vmem>>, vector<16xf32>,
    tpu.vector_store %arg10[%swap3A_666], %parallel_loop3A_663#4 {strides = array<i32>} : memref<128xf32, #tpu.memory_space<vmem>>, vector<16xf32>,
    %swap3A_668 = arith.constant 16 : index
    %swap3A_669 = tpu.vector_load %arg10[%swap3A_668] {strides = array<i32>} : memref<128xf32, #tpu.memory_space<vmem>>, vector<16xf32>,
    tpu.vector_store %arg10[%swap3A_668], %parallel_loop3A_663#1 {strides = array<i32>} : memref<128xf32, #tpu.memory_space<vmem>>, vector<16xf32>,
    %swap3A_670 = arith.constant 80 : index
    %swap3A_671 = tpu.vector_load %arg10[%swap3A_670] {strides = array<i32>} : memref<128xf32, #tpu.memory_space<vmem>>, vector<16xf32>,
    tpu.vector_store %arg10[%swap3A_670], %parallel_loop3A_663#5 {strides = array<i32>} : memref<128xf32, #tpu.memory_space<vmem>>, vector<16xf32>,
    %swap3A_672 = arith.constant 32 : index
    %swap3A_673 = tpu.vector_load %arg10[%swap3A_672] {strides = array<i32>} : memref<128xf32, #tpu.memory_space<vmem>>, vector<16xf32>,
    tpu.vector_store %arg10[%swap3A_672], %parallel_loop3A_663#2 {strides = array<i32>} : memref<128xf32, #tpu.memory_space<vmem>>, vector<16xf32>,
    %swap3A_674 = arith.constant 96 : index
    %swap3A_675 = tpu.vector_load %arg10[%swap3A_674] {strides = array<i32>} : memref<128xf32, #tpu.memory_space<vmem>>, vector<16xf32>,
    tpu.vector_store %arg10[%swap3A_674], %parallel_loop3A_663#6 {strides = array<i32>} : memref<128xf32, #tpu.memory_space<vmem>>, vector<16xf32>,
    %swap3A_676 = arith.constant 48 : index
    %swap3A_677 = tpu.vector_load %arg10[%swap3A_676] {strides = array<i32>} : memref<128xf32, #tpu.memory_space<vmem>>, vector<16xf32>,
    tpu.vector_store %arg10[%swap3A_676], %parallel_loop3A_663#3 {strides = array<i32>} : memref<128xf32, #tpu.memory_space<vmem>>, vector<16xf32>,
    %swap3A_678 = arith.constant 112 : index
    %swap3A_679 = tpu.vector_load %arg10[%swap3A_678] {strides = array<i32>} : memref<128xf32, #tpu.memory_space<vmem>>, vector<16xf32>,
    tpu.vector_store %arg10[%swap3A_678], %parallel_loop3A_663#7 {strides = array<i32>} : memref<128xf32, #tpu.memory_space<vmem>>, vector<16xf32>,
    %get3A_680 = arith.constant 0 : index
    %get3A_681 = tpu.vector_load %arg8[%get3A_680] {strides = array<i32>} : memref<64xi32, #tpu.memory_space<vmem>>, vector<16xi32>,
    %get3A_682 = arith.constant 16 : index
    %get3A_683 = tpu.vector_load %arg8[%get3A_682] {strides = array<i32>} : memref<64xi32, #tpu.memory_space<vmem>>, vector<16xi32>,
    %get3A_684 = arith.constant 32 : index
    %get3A_685 = tpu.vector_load %arg8[%get3A_684] {strides = array<i32>} : memref<64xi32, #tpu.memory_space<vmem>>, vector<16xi32>,
    %get3A_686 = arith.constant 48 : index
    %get3A_687 = tpu.vector_load %arg8[%get3A_686] {strides = array<i32>} : memref<64xi32, #tpu.memory_space<vmem>>, vector<16xi32>,
    %convert_element_type3A_688 = arith.sitofp %get3A_681 : vector<16xi32> to vector<16xf32>
    %convert_element_type3A_689 = arith.sitofp %get3A_683 : vector<16xi32> to vector<16xf32>
    %convert_element_type3A_690 = arith.sitofp %get3A_685 : vector<16xi32> to vector<16xf32>
    %convert_element_type3A_691 = arith.sitofp %get3A_687 : vector<16xi32> to vector<16xf32>
    %gather3A_692 = tpu.vector_load_idx %arg9[%get3A_681] : memref<16xf32, #tpu.memory_space<vmem>>[vector<16xi32>], vector<16xf32>,
    %sub3A = arith.constant 6.400000e+01 : f32
    %sub3A_693 = vector.broadcast %sub3A : f32 to vector<16xf32>
    %sub3A_694 = arith.subf %sub3A_693, %gather3A_692 : vector<16xf32>
    %gather3A_695 = tpu.vector_load_idx %arg9[%get3A_683] : memref<16xf32, #tpu.memory_space<vmem>>[vector<16xi32>], vector<16xf32>,
    %sub3A_696 = arith.constant 6.400000e+01 : f32
    %sub3A_697 = vector.broadcast %sub3A_696 : f32 to vector<16xf32>
    %sub3A_698 = arith.subf %sub3A_697, %gather3A_695 : vector<16xf32>
    %gather3A_699 = tpu.vector_load_idx %arg9[%get3A_685] : memref<16xf32, #tpu.memory_space<vmem>>[vector<16xi32>], vector<16xf32>,
    %sub3A_700 = arith.constant 6.400000e+01 : f32
    %sub3A_701 = vector.broadcast %sub3A_700 : f32 to vector<16xf32>
    %sub3A_702 = arith.subf %sub3A_701, %gather3A_699 : vector<16xf32>
    %gather3A_703 = tpu.vector_load_idx %arg9[%get3A_687] : memref<16xf32, #tpu.memory_space<vmem>>[vector<16xi32>], vector<16xf32>,
    %sub3A_704 = arith.constant 6.400000e+01 : f32
    %sub3A_705 = vector.broadcast %sub3A_704 : f32 to vector<16xf32>
    %sub3A_706 = arith.subf %sub3A_705, %gather3A_703 : vector<16xf32>
    %broadcast_in_dim3A_707 = vector.broadcast %mul3A_2 : i32 to vector<16xi32>
    %gather3A_708 = tpu.vector_load_idx %arg8[%broadcast_in_dim3A_707] : memref<64xi32, #tpu.memory_space<vmem>>[vector<16xi32>], vector<16xi32>,
    %convert_element_type3A_709 = arith.sitofp %gather3A_708 : vector<16xi32> to vector<16xf32>
    %broadcast_in_dim3A_710 = vector.broadcast %add3A_4 : i32 to vector<16xi32>
    %gather3A_711 = tpu.vector_load_idx %arg8[%broadcast_in_dim3A_710] : memref<64xi32, #tpu.memory_space<vmem>>[vector<16xi32>], vector<16xi32>,
    %convert_element_type3A_712 = arith.sitofp %gather3A_711 : vector<16xi32> to vector<16xf32>
    %add3A_713 = arith.constant 0 : i32
    %add3A_714 = vector.broadcast %add3A_713 : i32 to vector<16xi32>
    %add3A_715 = arith.addi %iota3A, %add3A_714 : vector<16xi32>
    %ge3A = arith.constant 2.000000e+00 : f32
    %ge3A_716 = vector.broadcast %ge3A : f32 to vector<16xf32>
    %ge3A_717 = arith.cmpf oge, %sub3A_694, %ge3A_716 : vector<16xf32>
    %ne3A = vector.broadcast %mul3A_2 : i32 to vector<16xi32>
    %ne3A_718 = arith.cmpi ne, %add3A_715, %ne3A : vector<16xi32>
    %and3A = arith.andi %ge3A_717, %ne3A_718 : vector<16xi1>
    %ne3A_719 = vector.broadcast %add3A_4 : i32 to vector<16xi32>
    %ne3A_720 = arith.cmpi ne, %add3A_715, %ne3A_719 : vector<16xi32>
    %and3A_721 = arith.andi %ge3A_717, %ne3A_720 : vector<16xi1>
    %jit3A_722 = arith.constant 1.000000e+00 : f32
    %jit3A_723 = arith.constant 0.000000e+00 : f32
    %broadcast_in_dim3A_724 = vector.broadcast %jit3A_722 : f32 to vector<16xf32>
    %broadcast_in_dim3A_725 = vector.broadcast %jit3A_723 : f32 to vector<16xf32>
    %select_n3A_726 = arith.select %and3A, %broadcast_in_dim3A_724, %broadcast_in_dim3A_725 : vector<16xi1>, vector<16xf32>
    %jit3A_727 = arith.constant 1.000000e+00 : f32
    %jit3A_728 = arith.constant 0.000000e+00 : f32
    %broadcast_in_dim3A_729 = vector.broadcast %jit3A_727 : f32 to vector<16xf32>
    %broadcast_in_dim3A_730 = vector.broadcast %jit3A_728 : f32 to vector<16xf32>
    %select_n3A_731 = arith.select %and3A_721, %broadcast_in_dim3A_729, %broadcast_in_dim3A_730 : vector<16xi1>, vector<16xf32>
    %add3A_732 = arith.addf %select_n3A_726, %select_n3A_731 : vector<16xf32>
    %get3A_733 = arith.constant 0 : index
    %get3A_734 = tpu.vector_load %arg10[%get3A_733] {strides = array<i32>} : memref<128xf32, #tpu.memory_space<vmem>>, vector<16xf32>,
    %get3A_735 = arith.constant 64 : index
    %get3A_736 = tpu.vector_load %arg10[%get3A_735] {strides = array<i32>} : memref<128xf32, #tpu.memory_space<vmem>>, vector<16xf32>,
    %jit3A_737 = arith.constant -1.000000e+30 : f32
    %broadcast_in_dim3A_738 = vector.broadcast %jit3A_737 : f32 to vector<16xf32>
    %select_n3A_739 = arith.select %and3A, %get3A_734, %broadcast_in_dim3A_738 : vector<16xi1>, vector<16xf32>
    %jit3A_740 = arith.constant -1.000000e+30 : f32
    %broadcast_in_dim3A_741 = vector.broadcast %jit3A_740 : f32 to vector<16xf32>
    %select_n3A_742 = arith.select %and3A_721, %get3A_736, %broadcast_in_dim3A_741 : vector<16xi1>, vector<16xf32>
    %sub3A_743 = arith.subf %convert_element_type3A_688, %convert_element_type3A_709 : vector<16xf32>
    %sub3A_744 = arith.subf %convert_element_type3A_688, %convert_element_type3A_712 : vector<16xf32>
    %eq3A_745 = arith.constant 0.000000e+00 : f32
    %eq3A_746 = vector.broadcast %eq3A_745 : f32 to vector<16xf32>
    %eq3A_747 = arith.cmpf oeq, %sub3A_743, %eq3A_746 : vector<16xf32>
    %jit3A_748 = arith.constant 0.000000e+00 : f32
    %broadcast_in_dim3A_749 = vector.broadcast %jit3A_748 : f32 to vector<16xf32>
    %select_n3A_750 = arith.select %eq3A_747, %broadcast_in_dim3A_749, %select_n3A_726 : vector<16xi1>, vector<16xf32>
    %sub3A_751 = arith.subf %broadcast_in_dim3A_5, %select_n3A_750 : vector<16xf32>
    %eq3A_752 = arith.constant 0.000000e+00 : f32
    %eq3A_753 = vector.broadcast %eq3A_752 : f32 to vector<16xf32>
    %eq3A_754 = arith.cmpf oeq, %sub3A_744, %eq3A_753 : vector<16xf32>
    %jit3A_755 = arith.constant 0.000000e+00 : f32
    %broadcast_in_dim3A_756 = vector.broadcast %jit3A_755 : f32 to vector<16xf32>
    %select_n3A_757 = arith.select %eq3A_754, %broadcast_in_dim3A_756, %select_n3A_731 : vector<16xi1>, vector<16xf32>
    %sub3A_758 = arith.subf %sub3A_751, %select_n3A_757 : vector<16xf32>
    %add3A_759 = arith.constant 16 : i32
    %add3A_760 = vector.broadcast %add3A_759 : i32 to vector<16xi32>
    %add3A_761 = arith.addi %iota3A, %add3A_760 : vector<16xi32>
    %ge3A_762 = arith.constant 2.000000e+00 : f32
    %ge3A_763 = vector.broadcast %ge3A_762 : f32 to vector<16xf32>
    %ge3A_764 = arith.cmpf oge, %sub3A_698, %ge3A_763 : vector<16xf32>
    %ne3A_765 = vector.broadcast %mul3A_2 : i32 to vector<16xi32>
    %ne3A_766 = arith.cmpi ne, %add3A_761, %ne3A_765 : vector<16xi32>
    %and3A_767 = arith.andi %ge3A_764, %ne3A_766 : vector<16xi1>
    %ne3A_768 = vector.broadcast %add3A_4 : i32 to vector<16xi32>
    %ne3A_769 = arith.cmpi ne, %add3A_761, %ne3A_768 : vector<16xi32>
    %and3A_770 = arith.andi %ge3A_764, %ne3A_769 : vector<16xi1>
    %jit3A_771 = arith.constant 1.000000e+00 : f32
    %jit3A_772 = arith.constant 0.000000e+00 : f32
    %broadcast_in_dim3A_773 = vector.broadcast %jit3A_771 : f32 to vector<16xf32>
    %broadcast_in_dim3A_774 = vector.broadcast %jit3A_772 : f32 to vector<16xf32>
    %select_n3A_775 = arith.select %and3A_767, %broadcast_in_dim3A_773, %broadcast_in_dim3A_774 : vector<16xi1>, vector<16xf32>
    %jit3A_776 = arith.constant 1.000000e+00 : f32
    %jit3A_777 = arith.constant 0.000000e+00 : f32
    %broadcast_in_dim3A_778 = vector.broadcast %jit3A_776 : f32 to vector<16xf32>
    %broadcast_in_dim3A_779 = vector.broadcast %jit3A_777 : f32 to vector<16xf32>
    %select_n3A_780 = arith.select %and3A_770, %broadcast_in_dim3A_778, %broadcast_in_dim3A_779 : vector<16xi1>, vector<16xf32>
    %add3A_781 = arith.addf %select_n3A_775, %select_n3A_780 : vector<16xf32>
    %get3A_782 = arith.constant 16 : index
    %get3A_783 = tpu.vector_load %arg10[%get3A_782] {strides = array<i32>} : memref<128xf32, #tpu.memory_space<vmem>>, vector<16xf32>,
    %get3A_784 = arith.constant 80 : index
    %get3A_785 = tpu.vector_load %arg10[%get3A_784] {strides = array<i32>} : memref<128xf32, #tpu.memory_space<vmem>>, vector<16xf32>,
    %jit3A_786 = arith.constant -1.000000e+30 : f32
    %broadcast_in_dim3A_787 = vector.broadcast %jit3A_786 : f32 to vector<16xf32>
    %select_n3A_788 = arith.select %and3A_767, %get3A_783, %broadcast_in_dim3A_787 : vector<16xi1>, vector<16xf32>
    %jit3A_789 = arith.constant -1.000000e+30 : f32
    %broadcast_in_dim3A_790 = vector.broadcast %jit3A_789 : f32 to vector<16xf32>
    %select_n3A_791 = arith.select %and3A_770, %get3A_785, %broadcast_in_dim3A_790 : vector<16xi1>, vector<16xf32>
    %sub3A_792 = arith.subf %convert_element_type3A_689, %convert_element_type3A_709 : vector<16xf32>
    %sub3A_793 = arith.subf %convert_element_type3A_689, %convert_element_type3A_712 : vector<16xf32>
    %eq3A_794 = arith.constant 0.000000e+00 : f32
    %eq3A_795 = vector.broadcast %eq3A_794 : f32 to vector<16xf32>
    %eq3A_796 = arith.cmpf oeq, %sub3A_792, %eq3A_795 : vector<16xf32>
    %jit3A_797 = arith.constant 0.000000e+00 : f32
    %broadcast_in_dim3A_798 = vector.broadcast %jit3A_797 : f32 to vector<16xf32>
    %select_n3A_799 = arith.select %eq3A_796, %broadcast_in_dim3A_798, %select_n3A_775 : vector<16xi1>, vector<16xf32>
    %sub3A_800 = arith.subf %sub3A_758, %select_n3A_799 : vector<16xf32>
    %eq3A_801 = arith.constant 0.000000e+00 : f32
    %eq3A_802 = vector.broadcast %eq3A_801 : f32 to vector<16xf32>
    %eq3A_803 = arith.cmpf oeq, %sub3A_793, %eq3A_802 : vector<16xf32>
    %jit3A_804 = arith.constant 0.000000e+00 : f32
    %broadcast_in_dim3A_805 = vector.broadcast %jit3A_804 : f32 to vector<16xf32>
    %select_n3A_806 = arith.select %eq3A_803, %broadcast_in_dim3A_805, %select_n3A_780 : vector<16xi1>, vector<16xf32>
    %sub3A_807 = arith.subf %sub3A_800, %select_n3A_806 : vector<16xf32>
    %add3A_808 = arith.constant 32 : i32
    %add3A_809 = vector.broadcast %add3A_808 : i32 to vector<16xi32>
    %add3A_810 = arith.addi %iota3A, %add3A_809 : vector<16xi32>
    %ge3A_811 = arith.constant 2.000000e+00 : f32
    %ge3A_812 = vector.broadcast %ge3A_811 : f32 to vector<16xf32>
    %ge3A_813 = arith.cmpf oge, %sub3A_702, %ge3A_812 : vector<16xf32>
    %ne3A_814 = vector.broadcast %mul3A_2 : i32 to vector<16xi32>
    %ne3A_815 = arith.cmpi ne, %add3A_810, %ne3A_814 : vector<16xi32>
    %and3A_816 = arith.andi %ge3A_813, %ne3A_815 : vector<16xi1>
    %ne3A_817 = vector.broadcast %add3A_4 : i32 to vector<16xi32>
    %ne3A_818 = arith.cmpi ne, %add3A_810, %ne3A_817 : vector<16xi32>
    %and3A_819 = arith.andi %ge3A_813, %ne3A_818 : vector<16xi1>
    %jit3A_820 = arith.constant 1.000000e+00 : f32
    %jit3A_821 = arith.constant 0.000000e+00 : f32
    %broadcast_in_dim3A_822 = vector.broadcast %jit3A_820 : f32 to vector<16xf32>
    %broadcast_in_dim3A_823 = vector.broadcast %jit3A_821 : f32 to vector<16xf32>
    %select_n3A_824 = arith.select %and3A_816, %broadcast_in_dim3A_822, %broadcast_in_dim3A_823 : vector<16xi1>, vector<16xf32>
    %jit3A_825 = arith.constant 1.000000e+00 : f32
    %jit3A_826 = arith.constant 0.000000e+00 : f32
    %broadcast_in_dim3A_827 = vector.broadcast %jit3A_825 : f32 to vector<16xf32>
    %broadcast_in_dim3A_828 = vector.broadcast %jit3A_826 : f32 to vector<16xf32>
    %select_n3A_829 = arith.select %and3A_819, %broadcast_in_dim3A_827, %broadcast_in_dim3A_828 : vector<16xi1>, vector<16xf32>
    %add3A_830 = arith.addf %select_n3A_824, %select_n3A_829 : vector<16xf32>
    %get3A_831 = arith.constant 32 : index
    %get3A_832 = tpu.vector_load %arg10[%get3A_831] {strides = array<i32>} : memref<128xf32, #tpu.memory_space<vmem>>, vector<16xf32>,
    %get3A_833 = arith.constant 96 : index
    %get3A_834 = tpu.vector_load %arg10[%get3A_833] {strides = array<i32>} : memref<128xf32, #tpu.memory_space<vmem>>, vector<16xf32>,
    %jit3A_835 = arith.constant -1.000000e+30 : f32
    %broadcast_in_dim3A_836 = vector.broadcast %jit3A_835 : f32 to vector<16xf32>
    %select_n3A_837 = arith.select %and3A_816, %get3A_832, %broadcast_in_dim3A_836 : vector<16xi1>, vector<16xf32>
    %jit3A_838 = arith.constant -1.000000e+30 : f32
    %broadcast_in_dim3A_839 = vector.broadcast %jit3A_838 : f32 to vector<16xf32>
    %select_n3A_840 = arith.select %and3A_819, %get3A_834, %broadcast_in_dim3A_839 : vector<16xi1>, vector<16xf32>
    %sub3A_841 = arith.subf %convert_element_type3A_690, %convert_element_type3A_709 : vector<16xf32>
    %sub3A_842 = arith.subf %convert_element_type3A_690, %convert_element_type3A_712 : vector<16xf32>
    %eq3A_843 = arith.constant 0.000000e+00 : f32
    %eq3A_844 = vector.broadcast %eq3A_843 : f32 to vector<16xf32>
    %eq3A_845 = arith.cmpf oeq, %sub3A_841, %eq3A_844 : vector<16xf32>
    %jit3A_846 = arith.constant 0.000000e+00 : f32
    %broadcast_in_dim3A_847 = vector.broadcast %jit3A_846 : f32 to vector<16xf32>
    %select_n3A_848 = arith.select %eq3A_845, %broadcast_in_dim3A_847, %select_n3A_824 : vector<16xi1>, vector<16xf32>
    %sub3A_849 = arith.subf %sub3A_807, %select_n3A_848 : vector<16xf32>
    %eq3A_850 = arith.constant 0.000000e+00 : f32
    %eq3A_851 = vector.broadcast %eq3A_850 : f32 to vector<16xf32>
    %eq3A_852 = arith.cmpf oeq, %sub3A_842, %eq3A_851 : vector<16xf32>
    %jit3A_853 = arith.constant 0.000000e+00 : f32
    %broadcast_in_dim3A_854 = vector.broadcast %jit3A_853 : f32 to vector<16xf32>
    %select_n3A_855 = arith.select %eq3A_852, %broadcast_in_dim3A_854, %select_n3A_829 : vector<16xi1>, vector<16xf32>
    %sub3A_856 = arith.subf %sub3A_849, %select_n3A_855 : vector<16xf32>
    %add3A_857 = arith.constant 48 : i32
    %add3A_858 = vector.broadcast %add3A_857 : i32 to vector<16xi32>
    %add3A_859 = arith.addi %iota3A, %add3A_858 : vector<16xi32>
    %ge3A_860 = arith.constant 2.000000e+00 : f32
    %ge3A_861 = vector.broadcast %ge3A_860 : f32 to vector<16xf32>
    %ge3A_862 = arith.cmpf oge, %sub3A_706, %ge3A_861 : vector<16xf32>
    %ne3A_863 = vector.broadcast %mul3A_2 : i32 to vector<16xi32>
    %ne3A_864 = arith.cmpi ne, %add3A_859, %ne3A_863 : vector<16xi32>
    %and3A_865 = arith.andi %ge3A_862, %ne3A_864 : vector<16xi1>
    %ne3A_866 = vector.broadcast %add3A_4 : i32 to vector<16xi32>
    %ne3A_867 = arith.cmpi ne, %add3A_859, %ne3A_866 : vector<16xi32>
    %and3A_868 = arith.andi %ge3A_862, %ne3A_867 : vector<16xi1>
    %jit3A_869 = arith.constant 1.000000e+00 : f32
    %jit3A_870 = arith.constant 0.000000e+00 : f32
    %broadcast_in_dim3A_871 = vector.broadcast %jit3A_869 : f32 to vector<16xf32>
    %broadcast_in_dim3A_872 = vector.broadcast %jit3A_870 : f32 to vector<16xf32>
    %select_n3A_873 = arith.select %and3A_865, %broadcast_in_dim3A_871, %broadcast_in_dim3A_872 : vector<16xi1>, vector<16xf32>
    %jit3A_874 = arith.constant 1.000000e+00 : f32
    %jit3A_875 = arith.constant 0.000000e+00 : f32
    %broadcast_in_dim3A_876 = vector.broadcast %jit3A_874 : f32 to vector<16xf32>
    %broadcast_in_dim3A_877 = vector.broadcast %jit3A_875 : f32 to vector<16xf32>
    %select_n3A_878 = arith.select %and3A_868, %broadcast_in_dim3A_876, %broadcast_in_dim3A_877 : vector<16xi1>, vector<16xf32>
    %add3A_879 = arith.addf %select_n3A_873, %select_n3A_878 : vector<16xf32>
    %get3A_880 = arith.constant 48 : index
    %get3A_881 = tpu.vector_load %arg10[%get3A_880] {strides = array<i32>} : memref<128xf32, #tpu.memory_space<vmem>>, vector<16xf32>,
    %get3A_882 = arith.constant 112 : index
    %get3A_883 = tpu.vector_load %arg10[%get3A_882] {strides = array<i32>} : memref<128xf32, #tpu.memory_space<vmem>>, vector<16xf32>,
    %jit3A_884 = arith.constant -1.000000e+30 : f32
    %broadcast_in_dim3A_885 = vector.broadcast %jit3A_884 : f32 to vector<16xf32>
    %select_n3A_886 = arith.select %and3A_865, %get3A_881, %broadcast_in_dim3A_885 : vector<16xi1>, vector<16xf32>
    %jit3A_887 = arith.constant -1.000000e+30 : f32
    %broadcast_in_dim3A_888 = vector.broadcast %jit3A_887 : f32 to vector<16xf32>
    %select_n3A_889 = arith.select %and3A_868, %get3A_883, %broadcast_in_dim3A_888 : vector<16xi1>, vector<16xf32>
    %sub3A_890 = arith.subf %convert_element_type3A_691, %convert_element_type3A_709 : vector<16xf32>
    %sub3A_891 = arith.subf %convert_element_type3A_691, %convert_element_type3A_712 : vector<16xf32>
    %eq3A_892 = arith.constant 0.000000e+00 : f32
    %eq3A_893 = vector.broadcast %eq3A_892 : f32 to vector<16xf32>
    %eq3A_894 = arith.cmpf oeq, %sub3A_890, %eq3A_893 : vector<16xf32>
    %jit3A_895 = arith.constant 0.000000e+00 : f32
    %broadcast_in_dim3A_896 = vector.broadcast %jit3A_895 : f32 to vector<16xf32>
    %select_n3A_897 = arith.select %eq3A_894, %broadcast_in_dim3A_896, %select_n3A_873 : vector<16xi1>, vector<16xf32>
    %sub3A_898 = arith.subf %sub3A_856, %select_n3A_897 : vector<16xf32>
    %eq3A_899 = arith.constant 0.000000e+00 : f32
    %eq3A_900 = vector.broadcast %eq3A_899 : f32 to vector<16xf32>
    %eq3A_901 = arith.cmpf oeq, %sub3A_891, %eq3A_900 : vector<16xf32>
    %jit3A_902 = arith.constant 0.000000e+00 : f32
    %broadcast_in_dim3A_903 = vector.broadcast %jit3A_902 : f32 to vector<16xf32>
    %select_n3A_904 = arith.select %eq3A_901, %broadcast_in_dim3A_903, %select_n3A_878 : vector<16xi1>, vector<16xf32>
    %sub3A_905 = arith.subf %sub3A_898, %select_n3A_904 : vector<16xf32>
    %parallel_loop3A_906 = arith.constant 0 : i32
    %parallel_loop3A_907 = arith.constant 64 : i32
    %parallel_loop3A_908 = arith.constant 1 : i32
    %parallel_loop3A_909:12 = scf.for %parallel_loop3A_1154 = %parallel_loop3A_906 to %parallel_loop3A_907 step %parallel_loop3A_908 iter_args(%parallel_loop3A_1155 = %broadcast_in_dim3A_5, %parallel_loop3A_1156 = %broadcast_in_dim3A_5, %parallel_loop3A_1157 = %broadcast_in_dim3A_5, %parallel_loop3A_1158 = %broadcast_in_dim3A_5, %parallel_loop3A_1159 = %broadcast_in_dim3A_5, %parallel_loop3A_1160 = %broadcast_in_dim3A_5, %parallel_loop3A_1161 = %broadcast_in_dim3A_5, %parallel_loop3A_1162 = %broadcast_in_dim3A_5, %parallel_loop3A_1163 = %broadcast_in_dim3A_5, %parallel_loop3A_1164 = %broadcast_in_dim3A_5, %parallel_loop3A_1165 = %broadcast_in_dim3A_5, %parallel_loop3A_1166 = %broadcast_in_dim3A_5) -> (vector<16xf32>, vector<16xf32>, vector<16xf32>, vector<16xf32>, vector<16xf32>, vector<16xf32>, vector<16xf32>, vector<16xf32>, vector<16xf32>, vector<16xf32>, vector<16xf32>, vector<16xf32>)  : i32 {
      %parallel_loop3A_1167 = vector.broadcast %parallel_loop3A_1154 : i32 to vector<16xi32>
      %parallel_loop3A_1168 = tpu.vector_load_idx %arg10[%parallel_loop3A_1167] : memref<128xf32, #tpu.memory_space<vmem>>[vector<16xi32>], vector<16xf32>,
      %parallel_loop3A_1169 = arith.constant 64 : i32
      %parallel_loop3A_1170 = vector.broadcast %parallel_loop3A_1169 : i32 to vector<16xi32>
      %parallel_loop3A_1171 = arith.addi %parallel_loop3A_1167, %parallel_loop3A_1170 : vector<16xi32>
      %parallel_loop3A_1172 = tpu.vector_load_idx %arg10[%parallel_loop3A_1171] : memref<128xf32, #tpu.memory_space<vmem>>[vector<16xi32>], vector<16xf32>,
      %parallel_loop3A_1173 = tpu.vector_load_idx %arg8[%parallel_loop3A_1167] : memref<64xi32, #tpu.memory_space<vmem>>[vector<16xi32>], vector<16xi32>,
      %parallel_loop3A_1174 = arith.sitofp %parallel_loop3A_1173 : vector<16xi32> to vector<16xf32>
      %parallel_loop3A_1175 = arith.subf %convert_element_type3A_688, %parallel_loop3A_1174 : vector<16xf32>
      %parallel_loop3A_1176 = math.absf %parallel_loop3A_1175 : vector<16xf32>
      %parallel_loop3A_1177 = arith.mulf %parallel_loop3A_1176, %div3A_8 : vector<16xf32>
      %parallel_loop3A_1178 = arith.constant 0.000000e+00 : f32
      %parallel_loop3A_1179 = vector.broadcast %parallel_loop3A_1178 : f32 to vector<16xf32>
      %parallel_loop3A_1180 = arith.cmpf oeq, %parallel_loop3A_1175, %parallel_loop3A_1179 : vector<16xf32>
      %parallel_loop3A_1181 = arith.constant -1.000000e+30 : f32
      %parallel_loop3A_1182 = vector.broadcast %parallel_loop3A_1181 : f32 to vector<16xf32>
      %parallel_loop3A_1183 = arith.select %parallel_loop3A_1180, %parallel_loop3A_1182, %parallel_loop3A_1177 : vector<16xi1>, vector<16xf32>
      %parallel_loop3A_1184 = arith.subf %select_n3A_739, %parallel_loop3A_1168 : vector<16xf32>
      %parallel_loop3A_1185 = arith.addf %parallel_loop3A_1184, %parallel_loop3A_1183 : vector<16xf32>
      %parallel_loop3A_1186 = arith.constant 0.000000e+00 : f32
      %parallel_loop3A_1187 = vector.broadcast %parallel_loop3A_1186 : f32 to vector<16xf32>
      %parallel_loop3A_1188 = arith.maximumf %parallel_loop3A_1185, %parallel_loop3A_1187 : vector<16xf32>
      %parallel_loop3A_1189 = arith.subf %select_n3A_742, %parallel_loop3A_1172 : vector<16xf32>
      %parallel_loop3A_1190 = arith.addf %parallel_loop3A_1189, %parallel_loop3A_1183 : vector<16xf32>
      %parallel_loop3A_1191 = arith.constant 0.000000e+00 : f32
      %parallel_loop3A_1192 = vector.broadcast %parallel_loop3A_1191 : f32 to vector<16xf32>
      %parallel_loop3A_1193 = arith.maximumf %parallel_loop3A_1190, %parallel_loop3A_1192 : vector<16xf32>
      %parallel_loop3A_1194 = arith.constant 0.000000e+00 : f32
      %parallel_loop3A_1195 = vector.broadcast %parallel_loop3A_1194 : f32 to vector<16xf32>
      %parallel_loop3A_1196 = arith.cmpf oeq, %parallel_loop3A_1175, %parallel_loop3A_1195 : vector<16xf32>
      %parallel_loop3A_1197 = arith.constant 0.000000e+00 : f32
      %parallel_loop3A_1198 = vector.broadcast %parallel_loop3A_1197 : f32 to vector<16xf32>
      %parallel_loop3A_1199 = arith.select %parallel_loop3A_1196, %parallel_loop3A_1198, %add3A_732 : vector<16xi1>, vector<16xf32>
      %parallel_loop3A_1200 = arith.addf %parallel_loop3A_1155, %parallel_loop3A_1188 : vector<16xf32>
      %parallel_loop3A_1201 = arith.addf %parallel_loop3A_1159, %parallel_loop3A_1193 : vector<16xf32>
      %parallel_loop3A_1202 = arith.addf %parallel_loop3A_1163, %parallel_loop3A_1199 : vector<16xf32>
      %parallel_loop3A_1203 = arith.subf %convert_element_type3A_689, %parallel_loop3A_1174 : vector<16xf32>
      %parallel_loop3A_1204 = math.absf %parallel_loop3A_1203 : vector<16xf32>
      %parallel_loop3A_1205 = arith.mulf %parallel_loop3A_1204, %div3A_8 : vector<16xf32>
      %parallel_loop3A_1206 = arith.constant 0.000000e+00 : f32
      %parallel_loop3A_1207 = vector.broadcast %parallel_loop3A_1206 : f32 to vector<16xf32>
      %parallel_loop3A_1208 = arith.cmpf oeq, %parallel_loop3A_1203, %parallel_loop3A_1207 : vector<16xf32>
      %parallel_loop3A_1209 = arith.constant -1.000000e+30 : f32
      %parallel_loop3A_1210 = vector.broadcast %parallel_loop3A_1209 : f32 to vector<16xf32>
      %parallel_loop3A_1211 = arith.select %parallel_loop3A_1208, %parallel_loop3A_1210, %parallel_loop3A_1205 : vector<16xi1>, vector<16xf32>
      %parallel_loop3A_1212 = arith.subf %select_n3A_788, %parallel_loop3A_1168 : vector<16xf32>
      %parallel_loop3A_1213 = arith.addf %parallel_loop3A_1212, %parallel_loop3A_1211 : vector<16xf32>
      %parallel_loop3A_1214 = arith.constant 0.000000e+00 : f32
      %parallel_loop3A_1215 = vector.broadcast %parallel_loop3A_1214 : f32 to vector<16xf32>
      %parallel_loop3A_1216 = arith.maximumf %parallel_loop3A_1213, %parallel_loop3A_1215 : vector<16xf32>
      %parallel_loop3A_1217 = arith.subf %select_n3A_791, %parallel_loop3A_1172 : vector<16xf32>
      %parallel_loop3A_1218 = arith.addf %parallel_loop3A_1217, %parallel_loop3A_1211 : vector<16xf32>
      %parallel_loop3A_1219 = arith.constant 0.000000e+00 : f32
      %parallel_loop3A_1220 = vector.broadcast %parallel_loop3A_1219 : f32 to vector<16xf32>
      %parallel_loop3A_1221 = arith.maximumf %parallel_loop3A_1218, %parallel_loop3A_1220 : vector<16xf32>
      %parallel_loop3A_1222 = arith.constant 0.000000e+00 : f32
      %parallel_loop3A_1223 = vector.broadcast %parallel_loop3A_1222 : f32 to vector<16xf32>
      %parallel_loop3A_1224 = arith.cmpf oeq, %parallel_loop3A_1203, %parallel_loop3A_1223 : vector<16xf32>
      %parallel_loop3A_1225 = arith.constant 0.000000e+00 : f32
      %parallel_loop3A_1226 = vector.broadcast %parallel_loop3A_1225 : f32 to vector<16xf32>
      %parallel_loop3A_1227 = arith.select %parallel_loop3A_1224, %parallel_loop3A_1226, %add3A_781 : vector<16xi1>, vector<16xf32>
      %parallel_loop3A_1228 = arith.addf %parallel_loop3A_1156, %parallel_loop3A_1216 : vector<16xf32>
      %parallel_loop3A_1229 = arith.addf %parallel_loop3A_1160, %parallel_loop3A_1221 : vector<16xf32>
      %parallel_loop3A_1230 = arith.addf %parallel_loop3A_1164, %parallel_loop3A_1227 : vector<16xf32>
      %parallel_loop3A_1231 = arith.subf %convert_element_type3A_690, %parallel_loop3A_1174 : vector<16xf32>
      %parallel_loop3A_1232 = math.absf %parallel_loop3A_1231 : vector<16xf32>
      %parallel_loop3A_1233 = arith.mulf %parallel_loop3A_1232, %div3A_8 : vector<16xf32>
      %parallel_loop3A_1234 = arith.constant 0.000000e+00 : f32
      %parallel_loop3A_1235 = vector.broadcast %parallel_loop3A_1234 : f32 to vector<16xf32>
      %parallel_loop3A_1236 = arith.cmpf oeq, %parallel_loop3A_1231, %parallel_loop3A_1235 : vector<16xf32>
      %parallel_loop3A_1237 = arith.constant -1.000000e+30 : f32
      %parallel_loop3A_1238 = vector.broadcast %parallel_loop3A_1237 : f32 to vector<16xf32>
      %parallel_loop3A_1239 = arith.select %parallel_loop3A_1236, %parallel_loop3A_1238, %parallel_loop3A_1233 : vector<16xi1>, vector<16xf32>
      %parallel_loop3A_1240 = arith.subf %select_n3A_837, %parallel_loop3A_1168 : vector<16xf32>
      %parallel_loop3A_1241 = arith.addf %parallel_loop3A_1240, %parallel_loop3A_1239 : vector<16xf32>
      %parallel_loop3A_1242 = arith.constant 0.000000e+00 : f32
      %parallel_loop3A_1243 = vector.broadcast %parallel_loop3A_1242 : f32 to vector<16xf32>
      %parallel_loop3A_1244 = arith.maximumf %parallel_loop3A_1241, %parallel_loop3A_1243 : vector<16xf32>
      %parallel_loop3A_1245 = arith.subf %select_n3A_840, %parallel_loop3A_1172 : vector<16xf32>
      %parallel_loop3A_1246 = arith.addf %parallel_loop3A_1245, %parallel_loop3A_1239 : vector<16xf32>
      %parallel_loop3A_1247 = arith.constant 0.000000e+00 : f32
      %parallel_loop3A_1248 = vector.broadcast %parallel_loop3A_1247 : f32 to vector<16xf32>
      %parallel_loop3A_1249 = arith.maximumf %parallel_loop3A_1246, %parallel_loop3A_1248 : vector<16xf32>
      %parallel_loop3A_1250 = arith.constant 0.000000e+00 : f32
      %parallel_loop3A_1251 = vector.broadcast %parallel_loop3A_1250 : f32 to vector<16xf32>
      %parallel_loop3A_1252 = arith.cmpf oeq, %parallel_loop3A_1231, %parallel_loop3A_1251 : vector<16xf32>
      %parallel_loop3A_1253 = arith.constant 0.000000e+00 : f32
      %parallel_loop3A_1254 = vector.broadcast %parallel_loop3A_1253 : f32 to vector<16xf32>
      %parallel_loop3A_1255 = arith.select %parallel_loop3A_1252, %parallel_loop3A_1254, %add3A_830 : vector<16xi1>, vector<16xf32>
      %parallel_loop3A_1256 = arith.addf %parallel_loop3A_1157, %parallel_loop3A_1244 : vector<16xf32>
      %parallel_loop3A_1257 = arith.addf %parallel_loop3A_1161, %parallel_loop3A_1249 : vector<16xf32>
      %parallel_loop3A_1258 = arith.addf %parallel_loop3A_1165, %parallel_loop3A_1255 : vector<16xf32>
      %parallel_loop3A_1259 = arith.subf %convert_element_type3A_691, %parallel_loop3A_1174 : vector<16xf32>
      %parallel_loop3A_1260 = math.absf %parallel_loop3A_1259 : vector<16xf32>
      %parallel_loop3A_1261 = arith.mulf %parallel_loop3A_1260, %div3A_8 : vector<16xf32>
      %parallel_loop3A_1262 = arith.constant 0.000000e+00 : f32
      %parallel_loop3A_1263 = vector.broadcast %parallel_loop3A_1262 : f32 to vector<16xf32>
      %parallel_loop3A_1264 = arith.cmpf oeq, %parallel_loop3A_1259, %parallel_loop3A_1263 : vector<16xf32>
      %parallel_loop3A_1265 = arith.constant -1.000000e+30 : f32
      %parallel_loop3A_1266 = vector.broadcast %parallel_loop3A_1265 : f32 to vector<16xf32>
      %parallel_loop3A_1267 = arith.select %parallel_loop3A_1264, %parallel_loop3A_1266, %parallel_loop3A_1261 : vector<16xi1>, vector<16xf32>
      %parallel_loop3A_1268 = arith.subf %select_n3A_886, %parallel_loop3A_1168 : vector<16xf32>
      %parallel_loop3A_1269 = arith.addf %parallel_loop3A_1268, %parallel_loop3A_1267 : vector<16xf32>
      %parallel_loop3A_1270 = arith.constant 0.000000e+00 : f32
      %parallel_loop3A_1271 = vector.broadcast %parallel_loop3A_1270 : f32 to vector<16xf32>
      %parallel_loop3A_1272 = arith.maximumf %parallel_loop3A_1269, %parallel_loop3A_1271 : vector<16xf32>
      %parallel_loop3A_1273 = arith.subf %select_n3A_889, %parallel_loop3A_1172 : vector<16xf32>
      %parallel_loop3A_1274 = arith.addf %parallel_loop3A_1273, %parallel_loop3A_1267 : vector<16xf32>
      %parallel_loop3A_1275 = arith.constant 0.000000e+00 : f32
      %parallel_loop3A_1276 = vector.broadcast %parallel_loop3A_1275 : f32 to vector<16xf32>
      %parallel_loop3A_1277 = arith.maximumf %parallel_loop3A_1274, %parallel_loop3A_1276 : vector<16xf32>
      %parallel_loop3A_1278 = arith.constant 0.000000e+00 : f32
      %parallel_loop3A_1279 = vector.broadcast %parallel_loop3A_1278 : f32 to vector<16xf32>
      %parallel_loop3A_1280 = arith.cmpf oeq, %parallel_loop3A_1259, %parallel_loop3A_1279 : vector<16xf32>
      %parallel_loop3A_1281 = arith.constant 0.000000e+00 : f32
      %parallel_loop3A_1282 = vector.broadcast %parallel_loop3A_1281 : f32 to vector<16xf32>
      %parallel_loop3A_1283 = arith.select %parallel_loop3A_1280, %parallel_loop3A_1282, %add3A_879 : vector<16xi1>, vector<16xf32>
      %parallel_loop3A_1284 = arith.addf %parallel_loop3A_1158, %parallel_loop3A_1272 : vector<16xf32>
      %parallel_loop3A_1285 = arith.addf %parallel_loop3A_1162, %parallel_loop3A_1277 : vector<16xf32>
      %parallel_loop3A_1286 = arith.addf %parallel_loop3A_1166, %parallel_loop3A_1283 : vector<16xf32>
      scf.yield %parallel_loop3A_1200, %parallel_loop3A_1228, %parallel_loop3A_1256, %parallel_loop3A_1284, %parallel_loop3A_1201, %parallel_loop3A_1229, %parallel_loop3A_1257, %parallel_loop3A_1285, %parallel_loop3A_1202, %parallel_loop3A_1230, %parallel_loop3A_1258, %parallel_loop3A_1286 : vector<16xf32>, vector<16xf32>, vector<16xf32>, vector<16xf32>, vector<16xf32>, vector<16xf32>, vector<16xf32>, vector<16xf32>, vector<16xf32>, vector<16xf32>, vector<16xf32>, vector<16xf32>
    } {sc.loop_unroll_factor = 2 : i64, sc.parallel_access}
    %broadcast_in_dim3A_910 = vector.broadcast %mul3A_2 : i32 to vector<16xi32>
    %broadcast_in_dim3A_911 = vector.broadcast %add3A_4 : i32 to vector<16xi32>
    %gather3A_912 = tpu.vector_load_idx %arg10[%broadcast_in_dim3A_910] : memref<128xf32, #tpu.memory_space<vmem>>[vector<16xi32>], vector<16xf32>,
    %add3A_913 = arith.constant 64 : i32
    %add3A_914 = vector.broadcast %add3A_913 : i32 to vector<16xi32>
    %add3A_915 = arith.addi %broadcast_in_dim3A_910, %add3A_914 : vector<16xi32>
    %gather3A_916 = tpu.vector_load_idx %arg10[%add3A_915] : memref<128xf32, #tpu.memory_space<vmem>>[vector<16xi32>], vector<16xf32>,
    %gather3A_917 = tpu.vector_load_idx %arg10[%broadcast_in_dim3A_911] : memref<128xf32, #tpu.memory_space<vmem>>[vector<16xi32>], vector<16xf32>,
    %add3A_918 = arith.constant 64 : i32
    %add3A_919 = vector.broadcast %add3A_918 : i32 to vector<16xi32>
    %add3A_920 = arith.addi %broadcast_in_dim3A_911, %add3A_919 : vector<16xi32>
    %gather3A_921 = tpu.vector_load_idx %arg10[%add3A_920] : memref<128xf32, #tpu.memory_space<vmem>>[vector<16xi32>], vector<16xf32>,
    %sub3A_922 = arith.subf %convert_element_type3A_688, %convert_element_type3A_709 : vector<16xf32>
    %abs3A = math.absf %sub3A_922 : vector<16xf32>
    %mul3A_923 = arith.mulf %abs3A, %div3A_8 : vector<16xf32>
    %eq3A_924 = arith.constant 0.000000e+00 : f32
    %eq3A_925 = vector.broadcast %eq3A_924 : f32 to vector<16xf32>
    %eq3A_926 = arith.cmpf oeq, %sub3A_922, %eq3A_925 : vector<16xf32>
    %jit3A_927 = arith.constant -1.000000e+30 : f32
    %broadcast_in_dim3A_928 = vector.broadcast %jit3A_927 : f32 to vector<16xf32>
    %select_n3A_929 = arith.select %eq3A_926, %broadcast_in_dim3A_928, %mul3A_923 : vector<16xi1>, vector<16xf32>
    %sub3A_930 = arith.subf %select_n3A_739, %gather3A_912 : vector<16xf32>
    %add3A_931 = arith.addf %sub3A_930, %select_n3A_929 : vector<16xf32>
    %max3A = arith.constant 0.000000e+00 : f32
    %max3A_932 = vector.broadcast %max3A : f32 to vector<16xf32>
    %max3A_933 = arith.maximumf %add3A_931, %max3A_932 : vector<16xf32>
    %sub3A_934 = arith.subf %select_n3A_742, %gather3A_916 : vector<16xf32>
    %add3A_935 = arith.addf %sub3A_934, %select_n3A_929 : vector<16xf32>
    %max3A_936 = arith.constant 0.000000e+00 : f32
    %max3A_937 = vector.broadcast %max3A_936 : f32 to vector<16xf32>
    %max3A_938 = arith.maximumf %add3A_935, %max3A_937 : vector<16xf32>
    %eq3A_939 = arith.constant 0.000000e+00 : f32
    %eq3A_940 = vector.broadcast %eq3A_939 : f32 to vector<16xf32>
    %eq3A_941 = arith.cmpf oeq, %sub3A_922, %eq3A_940 : vector<16xf32>
    %jit3A_942 = arith.constant 0.000000e+00 : f32
    %broadcast_in_dim3A_943 = vector.broadcast %jit3A_942 : f32 to vector<16xf32>
    %select_n3A_944 = arith.select %eq3A_941, %broadcast_in_dim3A_943, %add3A_732 : vector<16xi1>, vector<16xf32>
    %sub3A_945 = arith.subf %convert_element_type3A_688, %convert_element_type3A_712 : vector<16xf32>
    %abs3A_946 = math.absf %sub3A_945 : vector<16xf32>
    %mul3A_947 = arith.mulf %abs3A_946, %div3A_8 : vector<16xf32>
    %eq3A_948 = arith.constant 0.000000e+00 : f32
    %eq3A_949 = vector.broadcast %eq3A_948 : f32 to vector<16xf32>
    %eq3A_950 = arith.cmpf oeq, %sub3A_945, %eq3A_949 : vector<16xf32>
    %jit3A_951 = arith.constant -1.000000e+30 : f32
    %broadcast_in_dim3A_952 = vector.broadcast %jit3A_951 : f32 to vector<16xf32>
    %select_n3A_953 = arith.select %eq3A_950, %broadcast_in_dim3A_952, %mul3A_947 : vector<16xi1>, vector<16xf32>
    %sub3A_954 = arith.subf %select_n3A_739, %gather3A_917 : vector<16xf32>
    %add3A_955 = arith.addf %sub3A_954, %select_n3A_953 : vector<16xf32>
    %max3A_956 = arith.constant 0.000000e+00 : f32
    %max3A_957 = vector.broadcast %max3A_956 : f32 to vector<16xf32>
    %max3A_958 = arith.maximumf %add3A_955, %max3A_957 : vector<16xf32>
    %sub3A_959 = arith.subf %select_n3A_742, %gather3A_921 : vector<16xf32>
    %add3A_960 = arith.addf %sub3A_959, %select_n3A_953 : vector<16xf32>
    %max3A_961 = arith.constant 0.000000e+00 : f32
    %max3A_962 = vector.broadcast %max3A_961 : f32 to vector<16xf32>
    %max3A_963 = arith.maximumf %add3A_960, %max3A_962 : vector<16xf32>
    %eq3A_964 = arith.constant 0.000000e+00 : f32
    %eq3A_965 = vector.broadcast %eq3A_964 : f32 to vector<16xf32>
    %eq3A_966 = arith.cmpf oeq, %sub3A_945, %eq3A_965 : vector<16xf32>
    %jit3A_967 = arith.constant 0.000000e+00 : f32
    %broadcast_in_dim3A_968 = vector.broadcast %jit3A_967 : f32 to vector<16xf32>
    %select_n3A_969 = arith.select %eq3A_966, %broadcast_in_dim3A_968, %add3A_732 : vector<16xi1>, vector<16xf32>
    %sub3A_970 = arith.subf %parallel_loop3A_909#0, %max3A_933 : vector<16xf32>
    %add3A_971 = arith.addf %broadcast_in_dim3A_5, %sub3A_970 : vector<16xf32>
    %sub3A_972 = arith.subf %parallel_loop3A_909#4, %max3A_963 : vector<16xf32>
    %add3A_973 = arith.addf %add3A_971, %sub3A_972 : vector<16xf32>
    %add3A_974 = arith.addf %sub3A_905, %parallel_loop3A_909#8 : vector<16xf32>
    %sub3A_975 = arith.subf %convert_element_type3A_689, %convert_element_type3A_709 : vector<16xf32>
    %abs3A_976 = math.absf %sub3A_975 : vector<16xf32>
    %mul3A_977 = arith.mulf %abs3A_976, %div3A_8 : vector<16xf32>
    %eq3A_978 = arith.constant 0.000000e+00 : f32
    %eq3A_979 = vector.broadcast %eq3A_978 : f32 to vector<16xf32>
    %eq3A_980 = arith.cmpf oeq, %sub3A_975, %eq3A_979 : vector<16xf32>
    %jit3A_981 = arith.constant -1.000000e+30 : f32
    %broadcast_in_dim3A_982 = vector.broadcast %jit3A_981 : f32 to vector<16xf32>
    %select_n3A_983 = arith.select %eq3A_980, %broadcast_in_dim3A_982, %mul3A_977 : vector<16xi1>, vector<16xf32>
    %sub3A_984 = arith.subf %select_n3A_788, %gather3A_912 : vector<16xf32>
    %add3A_985 = arith.addf %sub3A_984, %select_n3A_983 : vector<16xf32>
    %max3A_986 = arith.constant 0.000000e+00 : f32
    %max3A_987 = vector.broadcast %max3A_986 : f32 to vector<16xf32>
    %max3A_988 = arith.maximumf %add3A_985, %max3A_987 : vector<16xf32>
    %sub3A_989 = arith.subf %select_n3A_791, %gather3A_916 : vector<16xf32>
    %add3A_990 = arith.addf %sub3A_989, %select_n3A_983 : vector<16xf32>
    %max3A_991 = arith.constant 0.000000e+00 : f32
    %max3A_992 = vector.broadcast %max3A_991 : f32 to vector<16xf32>
    %max3A_993 = arith.maximumf %add3A_990, %max3A_992 : vector<16xf32>
    %eq3A_994 = arith.constant 0.000000e+00 : f32
    %eq3A_995 = vector.broadcast %eq3A_994 : f32 to vector<16xf32>
    %eq3A_996 = arith.cmpf oeq, %sub3A_975, %eq3A_995 : vector<16xf32>
    %jit3A_997 = arith.constant 0.000000e+00 : f32
    %broadcast_in_dim3A_998 = vector.broadcast %jit3A_997 : f32 to vector<16xf32>
    %select_n3A_999 = arith.select %eq3A_996, %broadcast_in_dim3A_998, %add3A_781 : vector<16xi1>, vector<16xf32>
    %sub3A_1000 = arith.subf %convert_element_type3A_689, %convert_element_type3A_712 : vector<16xf32>
    %abs3A_1001 = math.absf %sub3A_1000 : vector<16xf32>
    %mul3A_1002 = arith.mulf %abs3A_1001, %div3A_8 : vector<16xf32>
    %eq3A_1003 = arith.constant 0.000000e+00 : f32
    %eq3A_1004 = vector.broadcast %eq3A_1003 : f32 to vector<16xf32>
    %eq3A_1005 = arith.cmpf oeq, %sub3A_1000, %eq3A_1004 : vector<16xf32>
    %jit3A_1006 = arith.constant -1.000000e+30 : f32
    %broadcast_in_dim3A_1007 = vector.broadcast %jit3A_1006 : f32 to vector<16xf32>
    %select_n3A_1008 = arith.select %eq3A_1005, %broadcast_in_dim3A_1007, %mul3A_1002 : vector<16xi1>, vector<16xf32>
    %sub3A_1009 = arith.subf %select_n3A_788, %gather3A_917 : vector<16xf32>
    %add3A_1010 = arith.addf %sub3A_1009, %select_n3A_1008 : vector<16xf32>
    %max3A_1011 = arith.constant 0.000000e+00 : f32
    %max3A_1012 = vector.broadcast %max3A_1011 : f32 to vector<16xf32>
    %max3A_1013 = arith.maximumf %add3A_1010, %max3A_1012 : vector<16xf32>
    %sub3A_1014 = arith.subf %select_n3A_791, %gather3A_921 : vector<16xf32>
    %add3A_1015 = arith.addf %sub3A_1014, %select_n3A_1008 : vector<16xf32>
    %max3A_1016 = arith.constant 0.000000e+00 : f32
    %max3A_1017 = vector.broadcast %max3A_1016 : f32 to vector<16xf32>
    %max3A_1018 = arith.maximumf %add3A_1015, %max3A_1017 : vector<16xf32>
    %eq3A_1019 = arith.constant 0.000000e+00 : f32
    %eq3A_1020 = vector.broadcast %eq3A_1019 : f32 to vector<16xf32>
    %eq3A_1021 = arith.cmpf oeq, %sub3A_1000, %eq3A_1020 : vector<16xf32>
    %jit3A_1022 = arith.constant 0.000000e+00 : f32
    %broadcast_in_dim3A_1023 = vector.broadcast %jit3A_1022 : f32 to vector<16xf32>
    %select_n3A_1024 = arith.select %eq3A_1021, %broadcast_in_dim3A_1023, %add3A_781 : vector<16xi1>, vector<16xf32>
    %sub3A_1025 = arith.subf %parallel_loop3A_909#1, %max3A_988 : vector<16xf32>
    %add3A_1026 = arith.addf %add3A_973, %sub3A_1025 : vector<16xf32>
    %sub3A_1027 = arith.subf %parallel_loop3A_909#5, %max3A_1018 : vector<16xf32>
    %add3A_1028 = arith.addf %add3A_1026, %sub3A_1027 : vector<16xf32>
    %add3A_1029 = arith.addf %add3A_974, %parallel_loop3A_909#9 : vector<16xf32>
    %sub3A_1030 = arith.subf %convert_element_type3A_690, %convert_element_type3A_709 : vector<16xf32>
    %abs3A_1031 = math.absf %sub3A_1030 : vector<16xf32>
    %mul3A_1032 = arith.mulf %abs3A_1031, %div3A_8 : vector<16xf32>
    %eq3A_1033 = arith.constant 0.000000e+00 : f32
    %eq3A_1034 = vector.broadcast %eq3A_1033 : f32 to vector<16xf32>
    %eq3A_1035 = arith.cmpf oeq, %sub3A_1030, %eq3A_1034 : vector<16xf32>
    %jit3A_1036 = arith.constant -1.000000e+30 : f32
    %broadcast_in_dim3A_1037 = vector.broadcast %jit3A_1036 : f32 to vector<16xf32>
    %select_n3A_1038 = arith.select %eq3A_1035, %broadcast_in_dim3A_1037, %mul3A_1032 : vector<16xi1>, vector<16xf32>
    %sub3A_1039 = arith.subf %select_n3A_837, %gather3A_912 : vector<16xf32>
    %add3A_1040 = arith.addf %sub3A_1039, %select_n3A_1038 : vector<16xf32>
    %max3A_1041 = arith.constant 0.000000e+00 : f32
    %max3A_1042 = vector.broadcast %max3A_1041 : f32 to vector<16xf32>
    %max3A_1043 = arith.maximumf %add3A_1040, %max3A_1042 : vector<16xf32>
    %sub3A_1044 = arith.subf %select_n3A_840, %gather3A_916 : vector<16xf32>
    %add3A_1045 = arith.addf %sub3A_1044, %select_n3A_1038 : vector<16xf32>
    %max3A_1046 = arith.constant 0.000000e+00 : f32
    %max3A_1047 = vector.broadcast %max3A_1046 : f32 to vector<16xf32>
    %max3A_1048 = arith.maximumf %add3A_1045, %max3A_1047 : vector<16xf32>
    %eq3A_1049 = arith.constant 0.000000e+00 : f32
    %eq3A_1050 = vector.broadcast %eq3A_1049 : f32 to vector<16xf32>
    %eq3A_1051 = arith.cmpf oeq, %sub3A_1030, %eq3A_1050 : vector<16xf32>
    %jit3A_1052 = arith.constant 0.000000e+00 : f32
    %broadcast_in_dim3A_1053 = vector.broadcast %jit3A_1052 : f32 to vector<16xf32>
    %select_n3A_1054 = arith.select %eq3A_1051, %broadcast_in_dim3A_1053, %add3A_830 : vector<16xi1>, vector<16xf32>
    %sub3A_1055 = arith.subf %convert_element_type3A_690, %convert_element_type3A_712 : vector<16xf32>
    %abs3A_1056 = math.absf %sub3A_1055 : vector<16xf32>
    %mul3A_1057 = arith.mulf %abs3A_1056, %div3A_8 : vector<16xf32>
    %eq3A_1058 = arith.constant 0.000000e+00 : f32
    %eq3A_1059 = vector.broadcast %eq3A_1058 : f32 to vector<16xf32>
    %eq3A_1060 = arith.cmpf oeq, %sub3A_1055, %eq3A_1059 : vector<16xf32>
    %jit3A_1061 = arith.constant -1.000000e+30 : f32
    %broadcast_in_dim3A_1062 = vector.broadcast %jit3A_1061 : f32 to vector<16xf32>
    %select_n3A_1063 = arith.select %eq3A_1060, %broadcast_in_dim3A_1062, %mul3A_1057 : vector<16xi1>, vector<16xf32>
    %sub3A_1064 = arith.subf %select_n3A_837, %gather3A_917 : vector<16xf32>
    %add3A_1065 = arith.addf %sub3A_1064, %select_n3A_1063 : vector<16xf32>
    %max3A_1066 = arith.constant 0.000000e+00 : f32
    %max3A_1067 = vector.broadcast %max3A_1066 : f32 to vector<16xf32>
    %max3A_1068 = arith.maximumf %add3A_1065, %max3A_1067 : vector<16xf32>
    %sub3A_1069 = arith.subf %select_n3A_840, %gather3A_921 : vector<16xf32>
    %add3A_1070 = arith.addf %sub3A_1069, %select_n3A_1063 : vector<16xf32>
    %max3A_1071 = arith.constant 0.000000e+00 : f32
    %max3A_1072 = vector.broadcast %max3A_1071 : f32 to vector<16xf32>
    %max3A_1073 = arith.maximumf %add3A_1070, %max3A_1072 : vector<16xf32>
    %eq3A_1074 = arith.constant 0.000000e+00 : f32
    %eq3A_1075 = vector.broadcast %eq3A_1074 : f32 to vector<16xf32>
    %eq3A_1076 = arith.cmpf oeq, %sub3A_1055, %eq3A_1075 : vector<16xf32>
    %jit3A_1077 = arith.constant 0.000000e+00 : f32
    %broadcast_in_dim3A_1078 = vector.broadcast %jit3A_1077 : f32 to vector<16xf32>
    %select_n3A_1079 = arith.select %eq3A_1076, %broadcast_in_dim3A_1078, %add3A_830 : vector<16xi1>, vector<16xf32>
    %sub3A_1080 = arith.subf %parallel_loop3A_909#2, %max3A_1043 : vector<16xf32>
    %add3A_1081 = arith.addf %add3A_1028, %sub3A_1080 : vector<16xf32>
    %sub3A_1082 = arith.subf %parallel_loop3A_909#6, %max3A_1073 : vector<16xf32>
    %add3A_1083 = arith.addf %add3A_1081, %sub3A_1082 : vector<16xf32>
    %add3A_1084 = arith.addf %add3A_1029, %parallel_loop3A_909#10 : vector<16xf32>
    %sub3A_1085 = arith.subf %convert_element_type3A_691, %convert_element_type3A_709 : vector<16xf32>
    %abs3A_1086 = math.absf %sub3A_1085 : vector<16xf32>
    %mul3A_1087 = arith.mulf %abs3A_1086, %div3A_8 : vector<16xf32>
    %eq3A_1088 = arith.constant 0.000000e+00 : f32
    %eq3A_1089 = vector.broadcast %eq3A_1088 : f32 to vector<16xf32>
    %eq3A_1090 = arith.cmpf oeq, %sub3A_1085, %eq3A_1089 : vector<16xf32>
    %jit3A_1091 = arith.constant -1.000000e+30 : f32
    %broadcast_in_dim3A_1092 = vector.broadcast %jit3A_1091 : f32 to vector<16xf32>
    %select_n3A_1093 = arith.select %eq3A_1090, %broadcast_in_dim3A_1092, %mul3A_1087 : vector<16xi1>, vector<16xf32>
    %sub3A_1094 = arith.subf %select_n3A_886, %gather3A_912 : vector<16xf32>
    %add3A_1095 = arith.addf %sub3A_1094, %select_n3A_1093 : vector<16xf32>
    %max3A_1096 = arith.constant 0.000000e+00 : f32
    %max3A_1097 = vector.broadcast %max3A_1096 : f32 to vector<16xf32>
    %max3A_1098 = arith.maximumf %add3A_1095, %max3A_1097 : vector<16xf32>
    %sub3A_1099 = arith.subf %select_n3A_889, %gather3A_916 : vector<16xf32>
    %add3A_1100 = arith.addf %sub3A_1099, %select_n3A_1093 : vector<16xf32>
    %max3A_1101 = arith.constant 0.000000e+00 : f32
    %max3A_1102 = vector.broadcast %max3A_1101 : f32 to vector<16xf32>
    %max3A_1103 = arith.maximumf %add3A_1100, %max3A_1102 : vector<16xf32>
    %eq3A_1104 = arith.constant 0.000000e+00 : f32
    %eq3A_1105 = vector.broadcast %eq3A_1104 : f32 to vector<16xf32>
    %eq3A_1106 = arith.cmpf oeq, %sub3A_1085, %eq3A_1105 : vector<16xf32>
    %jit3A_1107 = arith.constant 0.000000e+00 : f32
    %broadcast_in_dim3A_1108 = vector.broadcast %jit3A_1107 : f32 to vector<16xf32>
    %select_n3A_1109 = arith.select %eq3A_1106, %broadcast_in_dim3A_1108, %add3A_879 : vector<16xi1>, vector<16xf32>
    %sub3A_1110 = arith.subf %convert_element_type3A_691, %convert_element_type3A_712 : vector<16xf32>
    %abs3A_1111 = math.absf %sub3A_1110 : vector<16xf32>
    %mul3A_1112 = arith.mulf %abs3A_1111, %div3A_8 : vector<16xf32>
    %eq3A_1113 = arith.constant 0.000000e+00 : f32
    %eq3A_1114 = vector.broadcast %eq3A_1113 : f32 to vector<16xf32>
    %eq3A_1115 = arith.cmpf oeq, %sub3A_1110, %eq3A_1114 : vector<16xf32>
    %jit3A_1116 = arith.constant -1.000000e+30 : f32
    %broadcast_in_dim3A_1117 = vector.broadcast %jit3A_1116 : f32 to vector<16xf32>
    %select_n3A_1118 = arith.select %eq3A_1115, %broadcast_in_dim3A_1117, %mul3A_1112 : vector<16xi1>, vector<16xf32>
    %sub3A_1119 = arith.subf %select_n3A_886, %gather3A_917 : vector<16xf32>
    %add3A_1120 = arith.addf %sub3A_1119, %select_n3A_1118 : vector<16xf32>
    %max3A_1121 = arith.constant 0.000000e+00 : f32
    %max3A_1122 = vector.broadcast %max3A_1121 : f32 to vector<16xf32>
    %max3A_1123 = arith.maximumf %add3A_1120, %max3A_1122 : vector<16xf32>
    %sub3A_1124 = arith.subf %select_n3A_889, %gather3A_921 : vector<16xf32>
    %add3A_1125 = arith.addf %sub3A_1124, %select_n3A_1118 : vector<16xf32>
    %max3A_1126 = arith.constant 0.000000e+00 : f32
    %max3A_1127 = vector.broadcast %max3A_1126 : f32 to vector<16xf32>
    %max3A_1128 = arith.maximumf %add3A_1125, %max3A_1127 : vector<16xf32>
    %eq3A_1129 = arith.constant 0.000000e+00 : f32
    %eq3A_1130 = vector.broadcast %eq3A_1129 : f32 to vector<16xf32>
    %eq3A_1131 = arith.cmpf oeq, %sub3A_1110, %eq3A_1130 : vector<16xf32>
    %jit3A_1132 = arith.constant 0.000000e+00 : f32
    %broadcast_in_dim3A_1133 = vector.broadcast %jit3A_1132 : f32 to vector<16xf32>
    %select_n3A_1134 = arith.select %eq3A_1131, %broadcast_in_dim3A_1133, %add3A_879 : vector<16xi1>, vector<16xf32>
    %sub3A_1135 = arith.subf %parallel_loop3A_909#3, %max3A_1098 : vector<16xf32>
    %add3A_1136 = arith.addf %add3A_1083, %sub3A_1135 : vector<16xf32>
    %sub3A_1137 = arith.subf %parallel_loop3A_909#7, %max3A_1128 : vector<16xf32>
    %add3A_1138 = arith.addf %add3A_1136, %sub3A_1137 : vector<16xf32>
    %add3A_1139 = arith.addf %add3A_1084, %parallel_loop3A_909#11 : vector<16xf32>
    %swap3A_1140 = arith.constant 0 : i32
    %swap3A_1141 = arith.index_cast %swap3A_1140 : i32 to index
    %swap3A_1142 = arith.constant 0 : index
    %swap3A_1143 = tpu.vector_load %arg12[%swap3A_1141, %swap3A_1142] {strides = array<i32>} : memref<1x32xf32, #tpu.memory_space<vmem>>, vector<16xf32>,
    tpu.vector_store %arg12[%swap3A_1141, %swap3A_1142], %add3A_1138 {strides = array<i32>} : memref<1x32xf32, #tpu.memory_space<vmem>>, vector<16xf32>,
    %swap3A_1144 = arith.constant 0 : i32
    %swap3A_1145 = arith.index_cast %swap3A_1144 : i32 to index
    %swap3A_1146 = arith.constant 16 : index
    %swap3A_1147 = tpu.vector_load %arg12[%swap3A_1145, %swap3A_1146] {strides = array<i32>} : memref<1x32xf32, #tpu.memory_space<vmem>>, vector<16xf32>,
    tpu.vector_store %arg12[%swap3A_1145, %swap3A_1146], %add3A_1139 {strides = array<i32>} : memref<1x32xf32, #tpu.memory_space<vmem>>, vector<16xf32>,
    %barrier3A = arith.constant 0 : index
    tpu.barrier barrier_id(%barrier3A)
    "tpu.region"() ({
      %run_scoped3A = tpu.sem_alloc : memref<!tpu.dma_semaphore, #tpu.memory_space<semaphore_mem>>
      %dma_start3A = arith.constant 0 : i32
      %dma_start3A_1154 = arith.constant 0 : i32
      %dma_start3A_1155 = tpu.memref_slice %arg16[%dma_start3A, %dma_start3A_1154] : memref<1x32xf32, #tpu.memory_space<vmem_shared>> -> memref<1x32xf32, #tpu.memory_space<vmem_shared>>
      tpu.enqueue_indirect_dma source(%arg12 : memref<1x32xf32, #tpu.memory_space<vmem>>) target(%dma_start3A_1155 : memref<1x32xf32, #tpu.memory_space<vmem_shared>>) offsets(%arg15 : memref<1xi32, #tpu.memory_space<vmem>>) semaphore(%run_scoped3A : memref<!tpu.dma_semaphore, #tpu.memory_space<semaphore_mem>>) {add = true}
      %dma_wait3A = arith.constant 0 : i32
      %dma_wait3A_1156 = arith.constant 0 : i32
      %dma_wait3A_1157 = tpu.memref_slice %arg16[%dma_wait3A, %dma_wait3A_1156] : memref<1x32xf32, #tpu.memory_space<vmem_shared>> -> memref<1x32xf32, #tpu.memory_space<vmem_shared>>
      tpu.wait_indirect_dma semaphore(%run_scoped3A : memref<!tpu.dma_semaphore, #tpu.memory_space<semaphore_mem>>) src(%arg12 : memref<1x32xf32, #tpu.memory_space<vmem>>) dst(%dma_wait3A_1157 : memref<1x32xf32, #tpu.memory_space<vmem_shared>>)
      tpu.yield
    }) : () -> ()
    %barrier3A_1148 = arith.constant 0 : index
    tpu.barrier barrier_id(%barrier3A_1148)
    %eq3A_1149 = arith.constant 0 : i32
    %eq3A_1150 = arith.cmpi eq, %arg1, %eq3A_1149 : i32
    %convert_element_type3A_1151 = arith.extui %eq3A_1150 : i1 to i32
    %cond3A_1152 = arith.constant 0 : i32
    %cond3A_1153 = arith.cmpi ne, %convert_element_type3A_1151, %cond3A_1152 : i32
    scf.if %cond3A_1153 {
      "tpu.region"() ({
        %run_scoped3A = tpu.sem_alloc : memref<!tpu.dma_semaphore, #tpu.memory_space<semaphore_mem>>
        tpu.enqueue_dma source(%arg16 : memref<1x32xf32, #tpu.memory_space<vmem_shared>>) target(%arg13 : memref<1x32xf32, #tpu.memory_space<vmem>>) target_semaphore(%run_scoped3A : memref<!tpu.dma_semaphore, #tpu.memory_space<semaphore_mem>>)
        tpu.wait_dma2 semaphore(%run_scoped3A : memref<!tpu.dma_semaphore, #tpu.memory_space<semaphore_mem>>) src(%arg16 : memref<1x32xf32, #tpu.memory_space<vmem_shared>>) dst(%arg13 : memref<1x32xf32, #tpu.memory_space<vmem>>)
        tpu.yield
      }) : () -> ()
      %get3A_1154 = arith.constant 0 : i32
      %get3A_1155 = arith.index_cast %get3A_1154 : i32 to index
      %get3A_1156 = arith.constant 0 : index
      %get3A_1157 = tpu.vector_load %arg13[%get3A_1155, %get3A_1156] {strides = array<i32>} : memref<1x32xf32, #tpu.memory_space<vmem>>, vector<16xf32>,
      %reduce_sum3A = arith.constant true
      %reduce_sum3A_1158 = vector.broadcast %reduce_sum3A : i1 to vector<16xi1>
      %reduce_sum3A_1159 = tpu.scan <sum>, %get3A_1157 masked %reduce_sum3A_1158 : vector<16xf32>, vector<16xi1> -> vector<16xf32>
      %reduce_sum3A_1160 = vector.extract %reduce_sum3A_1159[15] : f32 from vector<16xf32>
      %get3A_1161 = arith.constant 0 : i32
      %get3A_1162 = arith.index_cast %get3A_1161 : i32 to index
      %get3A_1163 = arith.constant 16 : index
      %get3A_1164 = tpu.vector_load %arg13[%get3A_1162, %get3A_1163] {strides = array<i32>} : memref<1x32xf32, #tpu.memory_space<vmem>>, vector<16xf32>,
      %reduce_sum3A_1165 = arith.constant true
      %reduce_sum3A_1166 = vector.broadcast %reduce_sum3A_1165 : i1 to vector<16xi1>
      %reduce_sum3A_1167 = tpu.scan <sum>, %get3A_1164 masked %reduce_sum3A_1166 : vector<16xf32>, vector<16xi1> -> vector<16xf32>
      %reduce_sum3A_1168 = vector.extract %reduce_sum3A_1167[15] : f32 from vector<16xf32>
      %eq3A_1169 = arith.constant 0 : i32
      %eq3A_1170 = vector.broadcast %eq3A_1169 : i32 to vector<16xi32>
      %eq3A_1171 = arith.cmpi eq, %iota3A, %eq3A_1170 : vector<16xi32>
      %eq3A_1172 = arith.constant 1 : i32
      %eq3A_1173 = vector.broadcast %eq3A_1172 : i32 to vector<16xi32>
      %eq3A_1174 = arith.cmpi eq, %iota3A, %eq3A_1173 : vector<16xi32>
      %jit3A_1175 = arith.constant 0.000000e+00 : f32
      %broadcast_in_dim3A_1176 = vector.broadcast %reduce_sum3A_1168 : f32 to vector<16xf32>
      %broadcast_in_dim3A_1177 = vector.broadcast %jit3A_1175 : f32 to vector<16xf32>
      %select_n3A_1178 = arith.select %eq3A_1174, %broadcast_in_dim3A_1176, %broadcast_in_dim3A_1177 : vector<16xi1>, vector<16xf32>
      %broadcast_in_dim3A_1179 = vector.broadcast %reduce_sum3A_1160 : f32 to vector<16xf32>
      %select_n3A_1180 = arith.select %eq3A_1171, %broadcast_in_dim3A_1179, %select_n3A_1178 : vector<16xi1>, vector<16xf32>
      %swap3A_1181 = arith.constant 0 : i32
      %swap3A_1182 = arith.index_cast %swap3A_1181 : i32 to index
      %swap3A_1183 = arith.constant 0 : index
      %swap3A_1184 = tpu.vector_load %arg14[%swap3A_1182, %swap3A_1183] {strides = array<i32>} : memref<1x16xf32, #tpu.memory_space<vmem>>, vector<16xf32>,
      tpu.vector_store %arg14[%swap3A_1182, %swap3A_1183], %select_n3A_1180 {strides = array<i32>} : memref<1x16xf32, #tpu.memory_space<vmem>>, vector<16xf32>,
      "tpu.region"() ({
        %run_scoped3A = tpu.sem_alloc : memref<!tpu.dma_semaphore, #tpu.memory_space<semaphore_mem>>
        %dma_start3A = arith.constant 0 : i32
        %dma_start3A_1185 = tpu.memref_slice %arg6[%arg0, %dma_start3A] : memref<2x16xf32, #tpu.memory_space<hbm>> -> memref<1x16xf32, #tpu.memory_space<hbm>>
        %dma_start3A_1186 = arith.constant 0 : i32
        %dma_start3A_1187 = tpu.memref_slice %arg6[%arg0, %dma_start3A_1186] : memref<2x16xf32, #tpu.memory_space<hbm>> -> memref<1x16xf32, #tpu.memory_space<hbm>>
        tpu.enqueue_dma source(%arg14 : memref<1x16xf32, #tpu.memory_space<vmem>>) target(%dma_start3A_1187 : memref<1x16xf32, #tpu.memory_space<hbm>>) target_semaphore(%run_scoped3A : memref<!tpu.dma_semaphore, #tpu.memory_space<semaphore_mem>>)
        %dma_wait3A = arith.constant 0 : i32
        %dma_wait3A_1188 = tpu.memref_slice %arg6[%arg0, %dma_wait3A] : memref<2x16xf32, #tpu.memory_space<hbm>> -> memref<1x16xf32, #tpu.memory_space<hbm>>
        %dma_wait3A_1189 = arith.constant 0 : i32
        %dma_wait3A_1190 = tpu.memref_slice %arg6[%arg0, %dma_wait3A_1189] : memref<2x16xf32, #tpu.memory_space<hbm>> -> memref<1x16xf32, #tpu.memory_space<hbm>>
        tpu.wait_dma2 semaphore(%run_scoped3A : memref<!tpu.dma_semaphore, #tpu.memory_space<semaphore_mem>>) src(%arg14 : memref<1x16xf32, #tpu.memory_space<vmem>>) dst(%dma_wait3A_1190 : memref<1x16xf32, #tpu.memory_space<hbm>>)
        tpu.yield
      }) : () -> ()
    } else {
    }
    return
  }
}

</mosaic_0001>

<sc_bundles>
// kernel: kernel.3.cloned.1.call-start
scs
__scs_entry_jumppad:
0x0: {  	(pc) =	sbr.rel $0x88, $3  }
0x1: {  	(tag) =	ssettag $0x0;
	lr =	simm.s32 $0x1  }
0x2: {  	[smem:$0x3F9E] =	sst lr;
	_ =	strace $0xD0000000  }
0x3: {  	_ = 	snop  }
0x4: {  	_ = 	snop  }
0x5: {  	_ = 	snop  }
0x6: {  	_ = 	snop  }
0x7: {  	_ = 	snop  }
__scs_overlays_trampoline_lowered:
0x8: {  	[smem:$0x3FAD] =	sst s0  }
0x9: {  	[smem:$0x3FAE] =	sst s1  }
0xa: {  	[smem:$0x3FAF] =	sst s2  }
0xb: {  	[smem:$0x3FB0] =	sst s3  }
0xc: {  	[smem:$0x3FB1] =	sst s4  }
0xd: {  	[smem:$0x3FB2] =	sst s5  }
0xe: {  	[smem:$0x3FB3] =	sst s6  }
0xf: {  	[smem:$0x3FB4] =	sst s7  }
0x10: {  	[smem:$0x3FB5] =	sst s8  }
0x11: {  	[smem:$0x3FB6] =	sst s9;
	s0 =	simm.s32 @!p0 $0x0  }
0x12: {  	s1 =	sld [smem:$0x3F9C];
	s0 =	simm.s32 @p0 $0x1  }
0x13: {  	[smem:$0x3FB7] =	sst s0;
	s0 =	simm.s32 @!p1 $0x0  }
0x14: {  	s2 =	sld [smem:$0x3F9B];
	s0 =	simm.s32 @p1 $0x1  }
0x15: {  	[smem:$0x3FB8] =	sst s0;
	s0 =	simm.s32 @!p2 $0x0  }
0x16: {  	s3 =	sld [smem:$0x3FDB];
	s0 =	simm.s32 @p2 $0x1  }
0x17: {  	s4 =	simm.s32 $0x1BF5;
	[smem:$0x3FBA] =	sst s0  }
0x18: {  	s0 =	sld [smem:$0x3F9D];
	_ =	swait.ge [sflag:s4], $0x0  }
0x19: {  	s7 =	sld [smem:$0x3F9E]  }
0x1a: {  	s8 =	sadd.s32 $0xFFFFE003, lr  }
0x1b: {  	s9 =	sadd.s32 $0xFFFFFEF7, lr;
	s5 =	simm.s32 $0xFFFFFFFF;
	p2 =	slt.u32 s8, $0xFFFFF086  }
0x1c: {  	p1 =	slt.u32 s9, $0xF7A;
	s5 =	simm.s32 @!p2 $0x0  }
0x1d: {  	s5 =	simm.s32 @p1 $0x1;
	p0 =	seq.s32 s7, s2  }
0x1e: {  	s7 =	smul.u32 @!p0 $0xF7A, s2;
	p2 =	seq.s32 @!p0 s5, $0x0  }
0x1f: {  	s9 =	smul.u32 $0xF7A, s1;
	s8 =	simm.s32 @!p0 $0x1BF5;
	p2 =	por !p2, p0  }
0x20: {  	[sflag:s8] =	ssyncset.s32 @!p0 $0xFFFFF086;
	s6 =	sadd.s32 @!p0 s3, s7;
	s7 =	simm.s32 @!p0 $0x108  }
0x21: {  	s3 =	sadd.s32 s3, s9;
	s6 =	sadd.s32 @!p0 $0x88, s6;
	s7 =	simm.s32 @p2 $0x1082  }
0x22: {  	[simem:s7], [sflag:s8] =	dma.local @!p0 [hbm:s6], $0xF7A  }
0x23: {  	s9 =	sor.u32 $0xD0000000, s2;
	s6 =	simm.s32 $0x108;
	_ =	swait.ge @!p0 [sflag:s8], $0x0  }
0x24: {  	s3 =	sadd.s32 $0x88, s3;
	s6 =	simm.s32 @!p1 $0x1082;
	[sflag:s4] =	ssyncset.s32 $0xFFFFF086  }
0x25: {  	[simem:s6], [sflag:s4] =	dma.local [hbm:s3], $0xF7A  }
0x26: {  	[smem:$0x3F9E] =	sst s1;
	(tag) =	ssettag s2;
	_ =	strace s9  }
0x27: {  	s1 =	sld [smem:$0x3FAE]  }
0x28: {  	s2 =	sld [smem:$0x3FAF]  }
0x29: {  	s4 =	sld [smem:$0x3FB1]  }
0x2a: {  	p0 =	seq.s32 s5, $0x0;
	s5 =	sld [smem:$0x3FB2]  }
0x2b: {  	s6 =	sld [smem:$0x3FB3]  }
0x2c: {  	s7 =	sld [smem:$0x3FB4]  }
0x2d: {  	s3 =	simm.s32 $0x108;
	s8 =	sld [smem:$0x3FB5]  }
0x2e: {  	s3 =	simm.s32 @!p0 $0x1082;
	s9 =	sld [smem:$0x3FB6]  }
0x2f: {  	lr =	sadd.s32 s0, s3;
	s0 =	sld [smem:$0x3FAD]  }
0x30: {  	s3 =	sld [smem:$0x3FB0]  }
0x31: {  	[smem:$0x3FB9] =	sst s10  }
0x32: {  	s10 =	sld [smem:$0x3FB7];
	_ =	sdelay $0x3  }
0x33: {  	p0 =	seq.s32 s10, $0x1;
	s10 =	sld [smem:$0x3FB9];
	_ =	sdelay $0x3  }
0x34: {  	[smem:$0x3FB9] =	sst s10  }
0x35: {  	s10 =	sld [smem:$0x3FB8];
	_ =	sdelay $0x3  }
0x36: {  	p1 =	seq.s32 s10, $0x1;
	s10 =	sld [smem:$0x3FB9];
	_ =	sdelay $0x3  }
0x37: {  	[smem:$0x3FB9] =	sst s10  }
0x38: {  	s10 =	sld [smem:$0x3FBA]  }
0x39: {  	_ = 	snop;
	(pc) =	sbr.ind lr, $3  }
0x3a: {  	_ = 	snop  }
0x3b: {  	_ = 	snop  }
0x3c: {  	p2 =	seq.s32 s10, $0x1;
	s10 =	sld [smem:$0x3FB9]  }
0x3d: {  	_ =	shalt  }
0x3e: {  	_ =	shalt  }
0x3f: {  	_ =	shalt  }
0x40: {  	_ =	shalt  }
0x41: {  	_ =	shalt  }
0x42: {  	_ =	shalt  }
0x43: {  	_ =	shalt  }
0x44: {  	_ =	shalt  }
0x45: {  	_ =	shalt  }
0x46: {  	_ =	shalt  }
0x47: {  	_ =	shalt  }
0x48: {  	_ =	shalt  }
0x49: {  	_ =	shalt  }
0x4a: {  	_ =	shalt  }
0x4b: {  	_ =	shalt  }
0x4c: {  	_ =	shalt  }
0x4d: {  	_ =	shalt  }
0x4e: {  	_ =	shalt  }
0x4f: {  	_ =	shalt  }
0x50: {  	_ =	shalt  }
0x51: {  	_ =	shalt  }
0x52: {  	_ =	shalt  }
0x53: {  	_ =	shalt  }
0x54: {  	_ =	shalt  }
0x55: {  	_ =	shalt  }
0x56: {  	_ =	shalt  }
0x57: {  	_ =	shalt  }
0x58: {  	_ =	shalt  }
0x59: {  	_ =	shalt  }
0x5a: {  	_ =	shalt  }
0x5b: {  	_ =	shalt  }
0x5c: {  	_ =	shalt  }
0x5d: {  	_ =	shalt  }
0x5e: {  	_ =	shalt  }
0x5f: {  	_ =	shalt  }
0x60: {  	_ =	shalt  }
0x61: {  	_ =	shalt  }
0x62: {  	_ =	shalt  }
0x63: {  	_ =	shalt  }
0x64: {  	_ =	shalt  }
0x65: {  	_ =	shalt  }
0x66: {  	_ =	shalt  }
0x67: {  	_ =	shalt  }
0x68: {  	_ =	shalt  }
0x69: {  	_ =	shalt  }
0x6a: {  	_ =	shalt  }
0x6b: {  	_ =	shalt  }
0x6c: {  	_ =	shalt  }
0x6d: {  	_ =	shalt  }
0x6e: {  	_ =	shalt  }
0x6f: {  	_ =	shalt  }
0x70: {  	_ =	shalt  }
0x71: {  	_ =	shalt  }
0x72: {  	_ =	shalt  }
0x73: {  	_ =	shalt  }
0x74: {  	_ =	shalt  }
0x75: {  	_ =	shalt  }
0x76: {  	_ =	shalt  }
0x77: {  	_ =	shalt  }
0x78: {  	_ =	shalt  }
0x79: {  	_ =	shalt  }
0x7a: {  	_ =	shalt  }
0x7b: {  	_ =	shalt  }
0x7c: {  	_ =	shalt  }
0x7d: {  	_ =	shalt  }
0x7e: {  	_ =	shalt  }
0x7f: {  	_ =	shalt  }
0x80: {  	_ =	shalt  }
0x81: {  	_ =	shalt  }
0x82: {  	_ =	shalt  }
0x83: {  	_ =	shalt  }
0x84: {  	_ =	shalt  }
0x85: {  	_ =	shalt  }
0x86: {  	_ =	shalt  }
0x87: {  	_ =	shalt  }
.Lfunc_end0:
.L_simem_size_0:
called_computation_lowered:
.L_overlay_start_0:
0x88: {  	s2 =	sld [smem:$0x3FD9]  }
0x89: {  	s3 =	sld [smem:$0x3FFE];
	_ =	sdelay $0x1  }
0x8a: {  	s1 =	srdreg.scid  }
0x8b: {  	s0 =	sand.u32 $0x1, s1  }
0x8c: {  	s14 =	sshll.u32 s0, $0xA;
	s2 =	sadd.s32 s3, s2  }
0x8d: {  	s2 =	sadd.s32 s2, s14  }
0x8e: {  	[smem:$0x3FC5] =	sst s2  }
0x8f: {  	_ = 	snop  }
0x90: {  	s2 =	sld [smem:$0x3FD0];
	_ =	sdelay $0x2  }
0x91: {  	s4 =	simm.s32 $0xA;
	s5 =	simm.s32 $0x10;
	s15 =	sld [smem:$0x3FC8]  }
0x92: {  	[smem:s5], [sflag:s4] =	dma.local [hbm:s2], $0x1  }
0x93: {  	_ =	swait.eq [sflag:s4], $0x1  }
0x94: {  	[sflag:s4] =	ssyncset.done $0x0  }
0x95: {  	s16 =	sld [smem:$0x10];
	[sflag:s4] =	ssyncadd.s32 $0xFFFFFFFF  }
0x96: {  	s17 =	sld [smem:$0x11];
	(tm) =	ssettm $0x1  }
0x97: {  	s18 =	sld [smem:$0x3FFB];
	_ =	sdelay $0x3  }
0x98: {  	_ =	strace s18  }
0x99: {  	s5 =	sld [smem:$0x3FFC];
	_ =	sdelay $0x3  }
0x9a: {  	_ =	strace s5  }
0x9b: {  	s5 =	sld [smem:$0x3FFD];
	_ =	sdelay $0x3  }
0x9c: {  	_ =	strace s5  }
0x9d: {  	_ =	strace $0x8FFFFFFF  }
0x9e: {  	s19 =	sld [smem:$0x3FDB];
	_ =	sdelay $0x1  }
0x9f: {  	s6 =	simm.s32 $_scs_section_size  }
0xa0: {  	s7 =	simm.s32 $_size__tile_overlayer_lowered;
	s8 =	simm.s32 $_tile_overlayer_lowered  }
0xa1: {  	s22 =	simm.s32 $0x1BFF;
	s21 =	sshll.u32 s8, $0x1;
	s5 =	sadd.s32 s6, s19  }
0xa2: {  	s9 =	simm.s32 $0x0;
	s20 =	sshll.u32 s7, $0x1;
	s7 =	sadd.s32 s21, s5  }
0xa3: {  	[timem:s9], [sflag:s22] =	dma.local [hbm:s7], s20  }
0xa4: {  	_ =	swait.ge [sflag:s22], s20  }
0xa5: {  	s6 =	ssub.s32 $0x0, s20;
	[sflag:s22] =	ssyncset.done $0x0  }
0xa6: {  	[sflag:s22] =	ssyncadd.s32 s6;
	_ =	sdelay $0x1  }
0xa7: {  	s23 =	simm.s32 $0x1B8B  }
0xa8: {  	_ =	swait.ge [sflag:s23], $0x1  }
0xa9: {  	[sflag:s23] =	ssyncset.done $0x0  }
0xaa: {  	s25 =	simm.s32 $0x1B8E;
	s24 =	sld [smem:$0x3FFE];
	[sflag:s23] =	ssyncadd.s32 $0xFFFFFFFF  }
0xab: {  	s26 =	simm.s32 $execute0_lowered;
	[smem:$0x3FD2] =	sst s25  }
0xac: {  	s7 =	sshll.u32 s26, $0x1;
	_ =	strace $0x80000046;
	[dreg:$0x1] =	wrdreg $0xFFFFFFFF  }
0xad: {  	s28 =	simm.s32 $_size_execute0_lowered;
	s5 =	sadd.s32 s5, s7;
	[dreg:$0x0] =	wrdreg $0x0  }
0xae: {  	s7 =	sshll.u32 s28, $0x1;
	[dreg:$0x2] =	wrdreg s5  }
0xaf: {  	[dreg:$0x3] =	wrdreg s7  }
0xb0: {  	[dreg:$0x4] =	wrdreg $0xC0  }
0xb1: {  	_ =	task [dreg:s9], $0x5FFFF  }
0xb2: {  	[dreg:$0x1] =	wrdreg $0xFFFFFFFF  }
0xb3: {  	[dreg:$0x0] =	wrdreg $0x60  }
0xb4: {  	[dreg:$0x2] =	wrdreg s24  }
0xb5: {  	[dreg:$0x3] =	wrdreg s15  }
0xb6: {  	[dreg:$0x4] =	wrdreg s17  }
0xb7: {  	[dreg:$0x5] =	wrdreg s16  }
0xb8: {  	[dreg:$0x6] =	wrdreg $0x24000  }
0xb9: {  	[dreg:$0x7] =	wrdreg $0x9  }
0xba: {  	_ =	task.clear_ibuf [dreg:s9], $0x8FFFF;
	_ =	strace $0x90000046  }
0xbb: {  	s29 =	simm.s32 $0x9;
	_ =	strace $0x80000048  }
0xbc: {  	_ =	swait.ge [sflag:s29], $0x1  }
0xbd: {  	[sflag:s29] =	ssyncadd.s32 $0xFFFFFFFF  }
0xbe: {  	_ =	strace $0x90000048  }
0xbf: {  	_ =	sfence  }
0xc0: {  	s30 =	sld [smem:$0x0];
	_ =	sdelay $0x2  }
0xc1: {  	s31 =	sshll.u32 s1, $0xD;
	s1 =	sshrl.u32 s1, $0x2  }
0xc2: {  	s3 =	sand.u32 $0x4000, s31;
	s1 =	sadd.s32 s1, s30  }
0xc3: {  	s0 =	sor.u32 s3, s0;
	s1 =	sshll.u32 s1, $0x11  }
0xc4: {  	s0 =	sor.u32 s1, s0  }
0xc5: {  	s0 =	sadd.s32 $0x8F2B, s0  }
0xc6: {  	[sflag:s0] =	ssyncadd.remote.s32 $0x1  }
0xc7: {  	_ =	sfence.sel $0xFFFF  }
0xc8: {  	[dreg:$0x0] =	wrdreg $0xFFFFFFFF;
	(pc) =	sbr.abs _section_cstart, $3  }
0xc9: {  	[dreg:$0x1] =	wrdreg $0xFFFFFFFF  }
0xca: {  	_ =	task.clear_ibuf [dreg:s9], $0x2FFFF;
	_ =	strace $0x9FFFFFFF  }
0xcb: {  	(tm) =	ssettm $0x7FFFFFFF  }
tec
execute0_lowered:
.L_overlay_start_1:
0x0: {  	(tag) =	ssettag $0x1  }
0x1: {  	s7 =	rddreg [dreg:$0x0]  }
0x2: {  	s2 =	rddreg [dreg:$0x3]  }
0x3: {  	s0 =	srdreg.scid;
	s4 =	rddreg [dreg:$0x4]  }
0x4: {  	s10 =	stileid.u32;
	s3 =	rddreg [dreg:$0x5]  }
0x5: {  	s5 =	simm.s32 $0x0;
	s13 =	simm.s32 $0x1;
	s14 =	simm.s32 $0x2  }
0x6: {  	s15 =	simm.s32 $0x2080;
	s16 =	simm.s32 $0x2100;
	s6 =	sand.u32 $0x1, s0  }
0x7: {  	s17 =	simm.s32 $0x2200;
	s31 =	sshll.u32 s10, $0x2;
	s1 =	sshll.u32 s6, $0x1  }
0x8: {  	s18 =	simm.s32 $0x3;
	s19 =	simm.s32 $0x0;
	s9 =	sor.u32 s1, s31  }
0x9: {  	[smem:$0x7FF] =	sst s5;
	p0 =	sne.s32 s10, $0x0;
	s0 =	sor.u32 $0x1, s9  }
0xa: {  	s10 =	simm.s32 $0x2000;
	s8 =	ssub.s32 $0x2, s6;
	s6 =	sshll.u32 s6, $0x4;
	v0 =	vmov s0  }
0xb: {  	s1 =	rddreg [dreg:$0x2];
	s11 =	sshrl.u32 s8, $0x1;
	s12 =	sadd.s32 s6, s7;
	v1 =	vor.u32 $0x40, v0  }
0xc: {  	s6 =	sadd.s32 $0x600, s7;
	s8 =	ssub.s32 s8, s11;
	s7 =	sadd.s32 $0xA00, s12;
	[tilespmem:$0x1FFD0] =	vst v1  }
0xd: {  	v3 =	vlaneseq.u32;
	v41 =	vmov s9;
	s9 =	sor.u32 $0x41, s9;
	s0 =	rddreg [dreg:$0x1];
	_ =	strace $0x80000047;
	[tilespmem:$0x1FFE0] =	vst v0  }
0xe: {  	v4 =	vimm.s32 $0x0;
	s11 =	simm.s32 $0x2180;
	s12 =	simm.s32 $0x2380;
	s8 =	smax.u32 s8, $0x1;
	vm1 =	vne.s32 v41, v3;
	vm0 =	vne.s32 v0, v3;
	[tilespmem:$0x1FFF0] =	vst v41  }
.LBB2_1:
0xf: {  	[tilespmem:s5], [sflag:$0x2] =	stream.linear.gather [hbm4b:s6+s5], $0x2000, $0x38;
	[tilespmem:$0x2408] =	vst v63  }
0x10: {  	_ = 	snop  }
0x11: {  	[tilespmem:s10], [sflag:$0x1] =	stream.linear.gather [hbm4b:s0+s5], $0x80, $0x38;
	[tilespmem:$0x2408] =	vst v63  }
0x12: {  	_ = 	snop  }
0x13: {  	[tilespmem:s11], [sflag:$0x1] =	stream.linear.gather [hbm4b:s1+s5], $0x80, $0x38;
	[tilespmem:$0x2408] =	vst v63  }
0x14: {  	_ = 	snop  }
0x15: {  	[tilespmem:s12], [sflag:$0x1] =	stream.linear.gather [hbm4b:s2+s5], $0x80, $0x38;
	[tilespmem:$0x2408] =	vst v63  }
0x16: {  	_ =	swait.ge [sflag:s13], $0x80  }
0x17: {  	[sflag:s13] =	ssyncset.done $0x0  }
0x18: {  	[sflag:s13] =	ssyncadd.s32 $0xFFFFFF80  }
0x19: {  	_ =	swait.ge [sflag:s13], $0x80  }
0x1a: {  	[sflag:s13] =	ssyncset.done $0x0  }
0x1b: {  	[sflag:s13] =	ssyncadd.s32 $0xFFFFFF80  }
0x1c: {  	_ =	swait.ge [sflag:s13], $0x80  }
0x1d: {  	[sflag:s13] =	ssyncset.done $0x0  }
0x1e: {  	[sflag:s13] =	ssyncadd.s32 $0xFFFFFF80  }
0x1f: {  	v0 =	vld [tilespmem:$0x2180];
	_ =	sdelay $0x4  }
0x20: {  	(erf) = vrcp.f32 v0;
	_ =	sdelay $0x4  }
0x21: {  	v0 =	vimm.f32 @!p0 $0.0e+00  }
0x22: {  	[tilespmem:$0x2280] =	vst @!p0 v0  }
0x23: {  	s20 =	simm.s32 @!p0 $0x2280;
	[tilespmem:$0x2290] =	vst @!p0 v0  }
0x24: {  	[spmem:s4] =	stream.linear.scatter @!p0 [tilespmem:s20], [sflag:$0x3], $0x80, $0x38;
	[tilespmem:$0x2408] =	vst v63  }
0x25: {  	v1 =	vimm.s32 $0x1;
	s20 =	simm.s32 @!p0 $0x3;
	v9 =	vpop (erf)  }
0x26: {  	v2 =	vimm.s32 $0x2;
	_ =	swait.ge @!p0 [sflag:s20], $0x80  }
0x27: {  	v5 =	vimm.s32 $0x3;
	[sflag:s20] =	ssyncset.done @!p0 $0x0  }
0x28: {  	[sflag:s20] =	ssyncadd.s32 @!p0 $0xFFFFFF80  }
0x29: {  	v0 =	vld.msk [tilespmem:s10+$0x0], $0xffff  }
0x2a: {  	v1 =	vld.idx.msk [tilespmem:v1+s10+$0x0], $0xffff  }
0x2b: {  	v6 =	vimm.s32 $0x4;
	v2 =	vld.idx.msk [tilespmem:v2+s10+$0x0], $0xffff  }
0x2c: {  	v5 =	vld.idx.msk [tilespmem:v5+s10+$0x0], $0xffff  }
0x2d: {  	v7 =	vimm.s32 $0x5;
	_ =	sdelay $0x1  }
0x2e: {  	vm2 =	veq.s32 v0, v3;
	vm3 =	veq.s32 v1, v3;
	v0 =	vimm.s32 $0x6  }
0x2f: {  	v6 =	vld.idx.msk [tilespmem:v6+s10+$0x0], $0xffff;
	v1 =	vsel vm2, $0x1, v4;
	vm2 =	veq.s32 v2, v3;
	v2 =	vimm.s32 $0x7  }
0x30: {  	v10 =	vsel vm2, $0x1, v4;
	vm2 =	veq.s32 v5, v3;
	v5 =	vimm.s32 $0x8  }
0x31: {  	v7 =	vld.idx.msk [tilespmem:v7+s10+$0x0], $0xffff  }
0x32: {  	v8 =	vsel vm3, $0x1, v4  }
0x33: {  	v1 =	vadd.s32 v1, v8;
	v0 =	vld.idx.msk [tilespmem:v0+s10+$0x0], $0xffff  }
0x34: {  	v8 =	vsel vm2, $0x1, v4;
	vm2 =	veq.s32 v6, v3;
	v6 =	vimm.s32 $0x9;
	v2 =	vld.idx.msk [tilespmem:v2+s10+$0x0], $0xffff  }
0x35: {  	v1 =	vadd.s32 v10, v1;
	v10 =	vsel vm2, $0x1, v4;
	v5 =	vld.idx.msk [tilespmem:v5+s10+$0x0], $0xffff  }
0x36: {  	vm2 =	veq.s32 v7, v3;
	v7 =	vimm.s32 $0xA;
	v1 =	vadd.s32 v8, v1  }
0x37: {  	v8 =	vsel vm2, $0x1, v4;
	v1 =	vadd.s32 v10, v1  }
0x38: {  	v1 =	vadd.s32 v8, v1;
	vm2 =	veq.s32 v0, v3;
	v0 =	vimm.s32 $0xB  }
0x39: {  	v6 =	vld.idx.msk [tilespmem:v6+s10+$0x0], $0xffff;
	v10 =	vsel vm2, $0x1, v4;
	vm2 =	veq.s32 v2, v3;
	v2 =	vimm.s32 $0xC  }
0x3a: {  	v8 =	vsel vm2, $0x1, v4;
	vm2 =	veq.s32 v5, v3;
	v5 =	vimm.s32 $0xD  }
0x3b: {  	v7 =	vld.idx.msk [tilespmem:v7+s10+$0x0], $0xffff;
	_ =	sdelay $0x1  }
0x3c: {  	v1 =	vadd.s32 v10, v1;
	v0 =	vld.idx.msk [tilespmem:v0+s10+$0x0], $0xffff  }
0x3d: {  	v10 =	vsel vm2, $0x1, v4;
	vm2 =	veq.s32 v6, v3;
	v6 =	vimm.s32 $0xE;
	v2 =	vld.idx.msk [tilespmem:v2+s10+$0x0], $0xffff  }
0x3e: {  	v1 =	vadd.s32 v8, v1;
	v8 =	vsel vm2, $0x1, v4;
	v5 =	vld.idx.msk [tilespmem:v5+s10+$0x0], $0xffff  }
0x3f: {  	vm2 =	veq.s32 v7, v3;
	v7 =	vimm.s32 $0xF;
	v1 =	vadd.s32 v10, v1  }
0x40: {  	v10 =	vsel vm2, $0x1, v4;
	v1 =	vadd.s32 v8, v1  }
0x41: {  	v1 =	vadd.s32 v10, v1;
	vm2 =	veq.s32 v0, v3;
	v0 =	vimm.s32 $0x10  }
0x42: {  	v6 =	vld.idx.msk [tilespmem:v6+s10+$0x0], $0xffff;
	v8 =	vsel vm2, $0x1, v4;
	vm2 =	veq.s32 v2, v3;
	v2 =	vimm.s32 $0x11  }
0x43: {  	v10 =	vsel vm2, $0x1, v4;
	vm2 =	veq.s32 v5, v3;
	v5 =	vimm.s32 $0x12  }
0x44: {  	v7 =	vld.idx.msk [tilespmem:v7+s10+$0x0], $0xffff;
	_ =	sdelay $0x1  }
0x45: {  	v1 =	vadd.s32 v8, v1;
	v0 =	vld.idx.msk [tilespmem:v0+s10+$0x0], $0xffff  }
0x46: {  	v8 =	vsel vm2, $0x1, v4;
	vm2 =	veq.s32 v6, v3;
	v6 =	vimm.s32 $0x13;
	v2 =	vld.idx.msk [tilespmem:v2+s10+$0x0], $0xffff  }
0x47: {  	v1 =	vadd.s32 v10, v1;
	v10 =	vsel vm2, $0x1, v4;
	v5 =	vld.idx.msk [tilespmem:v5+s10+$0x0], $0xffff  }
0x48: {  	vm2 =	veq.s32 v7, v3;
	v7 =	vimm.s32 $0x14;
	v1 =	vadd.s32 v8, v1  }
0x49: {  	v8 =	vsel vm2, $0x1, v4;
	v1 =	vadd.s32 v10, v1  }
0x4a: {  	v1 =	vadd.s32 v8, v1;
	vm2 =	veq.s32 v0, v3;
	v0 =	vimm.s32 $0x15  }
0x4b: {  	v6 =	vld.idx.msk [tilespmem:v6+s10+$0x0], $0xffff;
	v10 =	vsel vm2, $0x1, v4;
	vm2 =	veq.s32 v2, v3;
	v2 =	vimm.s32 $0x16  }
0x4c: {  	v8 =	vsel vm2, $0x1, v4;
	vm2 =	veq.s32 v5, v3;
	v5 =	vimm.s32 $0x17  }
0x4d: {  	v7 =	vld.idx.msk [tilespmem:v7+s10+$0x0], $0xffff;
	_ =	sdelay $0x1  }
0x4e: {  	v1 =	vadd.s32 v10, v1;
	v0 =	vld.idx.msk [tilespmem:v0+s10+$0x0], $0xffff  }
0x4f: {  	v10 =	vsel vm2, $0x1, v4;
	vm2 =	veq.s32 v6, v3;
	v6 =	vimm.s32 $0x18;
	v2 =	vld.idx.msk [tilespmem:v2+s10+$0x0], $0xffff  }
0x50: {  	v1 =	vadd.s32 v8, v1;
	v8 =	vsel vm2, $0x1, v4;
	v5 =	vld.idx.msk [tilespmem:v5+s10+$0x0], $0xffff  }
0x51: {  	vm2 =	veq.s32 v7, v3;
	v7 =	vimm.s32 $0x19;
	v1 =	vadd.s32 v10, v1  }
0x52: {  	v10 =	vsel vm2, $0x1, v4;
	v1 =	vadd.s32 v8, v1  }
0x53: {  	v1 =	vadd.s32 v10, v1;
	vm2 =	veq.s32 v0, v3;
	v0 =	vimm.s32 $0x1A  }
0x54: {  	v6 =	vld.idx.msk [tilespmem:v6+s10+$0x0], $0xffff;
	v8 =	vsel vm2, $0x1, v4;
	vm2 =	veq.s32 v2, v3;
	v2 =	vimm.s32 $0x1B  }
0x55: {  	v10 =	vsel vm2, $0x1, v4;
	vm2 =	veq.s32 v5, v3;
	v5 =	vimm.s32 $0x1C  }
0x56: {  	v7 =	vld.idx.msk [tilespmem:v7+s10+$0x0], $0xffff;
	_ =	sdelay $0x1  }
0x57: {  	v1 =	vadd.s32 v8, v1;
	v0 =	vld.idx.msk [tilespmem:v0+s10+$0x0], $0xffff  }
0x58: {  	v8 =	vsel vm2, $0x1, v4;
	vm2 =	veq.s32 v6, v3;
	v6 =	vimm.s32 $0x1D;
	v2 =	vld.idx.msk [tilespmem:v2+s10+$0x0], $0xffff  }
0x59: {  	v1 =	vadd.s32 v10, v1;
	v10 =	vsel vm2, $0x1, v4;
	v5 =	vld.idx.msk [tilespmem:v5+s10+$0x0], $0xffff  }
0x5a: {  	vm2 =	veq.s32 v7, v3;
	v7 =	vimm.s32 $0x1E;
	v1 =	vadd.s32 v8, v1  }
0x5b: {  	v8 =	vsel vm2, $0x1, v4;
	v1 =	vadd.s32 v10, v1  }
0x5c: {  	v1 =	vadd.s32 v8, v1;
	vm2 =	veq.s32 v0, v3;
	v0 =	vimm.s32 $0x1F  }
0x5d: {  	v6 =	vld.idx.msk [tilespmem:v6+s10+$0x0], $0xffff;
	v10 =	vsel vm2, $0x1, v4;
	vm2 =	veq.s32 v2, v3;
	v2 =	vimm.s32 $0x20  }
0x5e: {  	v8 =	vsel vm2, $0x1, v4;
	vm2 =	veq.s32 v5, v3;
	v5 =	vimm.s32 $0x21  }
0x5f: {  	v7 =	vld.idx.msk [tilespmem:v7+s10+$0x0], $0xffff;
	_ =	sdelay $0x1  }
0x60: {  	v1 =	vadd.s32 v10, v1;
	v0 =	vld.idx.msk [tilespmem:v0+s10+$0x0], $0xffff  }
0x61: {  	v10 =	vsel vm2, $0x1, v4;
	vm2 =	veq.s32 v6, v3;
	v6 =	vimm.s32 $0x22;
	v2 =	vld.idx.msk [tilespmem:v2+s10+$0x0], $0xffff  }
0x62: {  	v1 =	vadd.s32 v8, v1;
	v8 =	vsel vm2, $0x1, v4;
	v5 =	vld.idx.msk [tilespmem:v5+s10+$0x0], $0xffff  }
0x63: {  	vm2 =	veq.s32 v7, v3;
	v7 =	vimm.s32 $0x23;
	v1 =	vadd.s32 v10, v1  }
0x64: {  	v10 =	vsel vm2, $0x1, v4;
	v1 =	vadd.s32 v8, v1  }
0x65: {  	v1 =	vadd.s32 v10, v1;
	vm2 =	veq.s32 v0, v3;
	v0 =	vimm.s32 $0x24  }
0x66: {  	v6 =	vld.idx.msk [tilespmem:v6+s10+$0x0], $0xffff;
	v8 =	vsel vm2, $0x1, v4;
	vm2 =	veq.s32 v2, v3;
	v2 =	vimm.s32 $0x25  }
0x67: {  	v10 =	vsel vm2, $0x1, v4;
	vm2 =	veq.s32 v5, v3;
	v5 =	vimm.s32 $0x26  }
0x68: {  	v7 =	vld.idx.msk [tilespmem:v7+s10+$0x0], $0xffff;
	_ =	sdelay $0x1  }
0x69: {  	v1 =	vadd.s32 v8, v1;
	v0 =	vld.idx.msk [tilespmem:v0+s10+$0x0], $0xffff  }
0x6a: {  	v8 =	vsel vm2, $0x1, v4;
	vm2 =	veq.s32 v6, v3;
	v6 =	vimm.s32 $0x27;
	v2 =	vld.idx.msk [tilespmem:v2+s10+$0x0], $0xffff  }
0x6b: {  	v1 =	vadd.s32 v10, v1;
	v10 =	vsel vm2, $0x1, v4;
	v5 =	vld.idx.msk [tilespmem:v5+s10+$0x0], $0xffff  }
0x6c: {  	vm2 =	veq.s32 v7, v3;
	v7 =	vimm.s32 $0x28;
	v1 =	vadd.s32 v8, v1  }
0x6d: {  	v8 =	vsel vm2, $0x1, v4;
	v1 =	vadd.s32 v10, v1  }
0x6e: {  	v1 =	vadd.s32 v8, v1;
	vm2 =	veq.s32 v0, v3;
	v0 =	vimm.s32 $0x29  }
0x6f: {  	v6 =	vld.idx.msk [tilespmem:v6+s10+$0x0], $0xffff;
	v10 =	vsel vm2, $0x1, v4;
	vm2 =	veq.s32 v2, v3;
	v2 =	vimm.s32 $0x2A  }
0x70: {  	v8 =	vsel vm2, $0x1, v4;
	vm2 =	veq.s32 v5, v3;
	v5 =	vimm.s32 $0x2B  }
0x71: {  	v7 =	vld.idx.msk [tilespmem:v7+s10+$0x0], $0xffff;
	_ =	sdelay $0x1  }
0x72: {  	v1 =	vadd.s32 v10, v1;
	v0 =	vld.idx.msk [tilespmem:v0+s10+$0x0], $0xffff  }
0x73: {  	v10 =	vsel vm2, $0x1, v4;
	vm2 =	veq.s32 v6, v3;
	v6 =	vimm.s32 $0x2C;
	v2 =	vld.idx.msk [tilespmem:v2+s10+$0x0], $0xffff  }
0x74: {  	v1 =	vadd.s32 v8, v1;
	v8 =	vsel vm2, $0x1, v4;
	v5 =	vld.idx.msk [tilespmem:v5+s10+$0x0], $0xffff  }
0x75: {  	vm2 =	veq.s32 v7, v3;
	v7 =	vimm.s32 $0x2D;
	v1 =	vadd.s32 v10, v1  }
0x76: {  	v10 =	vsel vm2, $0x1, v4;
	v1 =	vadd.s32 v8, v1  }
0x77: {  	v1 =	vadd.s32 v10, v1;
	vm2 =	veq.s32 v0, v3;
	v0 =	vimm.s32 $0x2E  }
0x78: {  	v6 =	vld.idx.msk [tilespmem:v6+s10+$0x0], $0xffff;
	v8 =	vsel vm2, $0x1, v4;
	vm2 =	veq.s32 v2, v3;
	v2 =	vimm.s32 $0x2F  }
0x79: {  	v10 =	vsel vm2, $0x1, v4;
	vm2 =	veq.s32 v5, v3;
	v5 =	vimm.s32 $0x30  }
0x7a: {  	v7 =	vld.idx.msk [tilespmem:v7+s10+$0x0], $0xffff;
	_ =	sdelay $0x1  }
0x7b: {  	v1 =	vadd.s32 v8, v1;
	v0 =	vld.idx.msk [tilespmem:v0+s10+$0x0], $0xffff  }
0x7c: {  	v8 =	vsel vm2, $0x1, v4;
	vm2 =	veq.s32 v6, v3;
	v6 =	vimm.s32 $0x31;
	v2 =	vld.idx.msk [tilespmem:v2+s10+$0x0], $0xffff  }
0x7d: {  	v1 =	vadd.s32 v10, v1;
	v10 =	vsel vm2, $0x1, v4;
	v5 =	vld.idx.msk [tilespmem:v5+s10+$0x0], $0xffff  }
0x7e: {  	vm2 =	veq.s32 v7, v3;
	v7 =	vimm.s32 $0x32;
	v1 =	vadd.s32 v8, v1  }
0x7f: {  	v8 =	vsel vm2, $0x1, v4;
	v1 =	vadd.s32 v10, v1  }
0x80: {  	v1 =	vadd.s32 v8, v1;
	vm2 =	veq.s32 v0, v3;
	v0 =	vimm.s32 $0x33  }
0x81: {  	v6 =	vld.idx.msk [tilespmem:v6+s10+$0x0], $0xffff;
	v10 =	vsel vm2, $0x1, v4;
	vm2 =	veq.s32 v2, v3;
	v2 =	vimm.s32 $0x34  }
0x82: {  	v8 =	vsel vm2, $0x1, v4;
	vm2 =	veq.s32 v5, v3;
	v5 =	vimm.s32 $0x35  }
0x83: {  	v7 =	vld.idx.msk [tilespmem:v7+s10+$0x0], $0xffff;
	_ =	sdelay $0x1  }
0x84: {  	v0 =	vld.idx.msk [tilespmem:v0+s10+$0x0], $0xffff  }
0x85: {  	v1 =	vadd.s32 v10, v1;
	v10 =	vsel vm2, $0x1, v4;
	vm2 =	veq.s32 v6, v3;
	v2 =	vld.idx.msk [tilespmem:v2+s10+$0x0], $0xffff  }
0x86: {  	v6 =	vimm.s32 $0x36;
	v1 =	vadd.s32 v8, v1;
	v8 =	vsel vm2, $0x1, v4;
	v5 =	vld.idx.msk [tilespmem:v5+s10+$0x0], $0xffff  }
0x87: {  	vm2 =	veq.s32 v7, v3;
	v7 =	vimm.s32 $0x37;
	v1 =	vadd.s32 v10, v1  }
0x88: {  	v10 =	vsel vm2, $0x1, v4;
	v1 =	vadd.s32 v8, v1  }
0x89: {  	v1 =	vadd.s32 v10, v1;
	vm2 =	veq.s32 v0, v3;
	v0 =	vimm.s32 $0x38  }
0x8a: {  	v8 =	vsel vm2, $0x1, v4;
	vm2 =	veq.s32 v2, v3;
	v2 =	vimm.s32 $0x39  }
0x8b: {  	v6 =	vld.idx.msk [tilespmem:v6+s10+$0x0], $0xffff;
	v10 =	vsel vm2, $0x1, v4;
	vm2 =	veq.s32 v5, v3;
	v5 =	vimm.s32 $0x3A  }
0x8c: {  	v7 =	vld.idx.msk [tilespmem:v7+s10+$0x0], $0xffff;
	_ =	sdelay $0x1  }
0x8d: {  	v0 =	vld.idx.msk [tilespmem:v0+s10+$0x0], $0xffff  }
0x8e: {  	v1 =	vadd.s32 v8, v1;
	v8 =	vsel vm2, $0x1, v4;
	v2 =	vld.idx.msk [tilespmem:v2+s10+$0x0], $0xffff  }
0x8f: {  	vm2 =	veq.s32 v6, v3;
	v6 =	vimm.s32 $0x3B;
	v1 =	vadd.s32 v10, v1;
	v5 =	vld.idx.msk [tilespmem:v5+s10+$0x0], $0xffff  }
0x90: {  	v10 =	vsel vm2, $0x1, v4;
	vm2 =	veq.s32 v7, v3;
	v1 =	vadd.s32 v8, v1  }
0x91: {  	v7 =	vimm.s32 $0x3C;
	v8 =	vsel vm2, $0x1, v4;
	v1 =	vadd.s32 v10, v1  }
0x92: {  	v1 =	vadd.s32 v8, v1;
	vm2 =	veq.s32 v0, v3;
	v0 =	vimm.s32 $0x3D  }
0x93: {  	v10 =	vsel vm2, $0x1, v4;
	vm2 =	veq.s32 v2, v3;
	v2 =	vimm.s32 $0x3E  }
0x94: {  	v8 =	vsel vm2, $0x1, v4;
	vm2 =	veq.s32 v5, v3;
	v5 =	vimm.s32 $0x3F  }
0x95: {  	v6 =	vld.idx.msk [tilespmem:v6+s10+$0x0], $0xffff  }
0x96: {  	v7 =	vld.idx.msk [tilespmem:v7+s10+$0x0], $0xffff  }
0x97: {  	v0 =	vld.idx.msk [tilespmem:v0+s10+$0x0], $0xffff  }
0x98: {  	v2 =	vld.idx.msk [tilespmem:v2+s10+$0x0], $0xffff  }
0x99: {  	v1 =	vadd.s32 v10, v1;
	v5 =	vld.idx.msk [tilespmem:v5+s10+$0x0], $0xffff  }
0x9a: {  	v10 =	vsel vm2, $0x1, v4;
	vm2 =	veq.s32 v6, v3;
	v1 =	vadd.s32 v8, v1  }
0x9b: {  	v6 =	vsel vm2, $0x1, v4;
	vm2 =	veq.s32 v7, v3;
	v1 =	vadd.s32 v10, v1  }
0x9c: {  	v7 =	vsel vm2, $0x1, v4;
	vm2 =	veq.s32 v0, v3;
	v0 =	vadd.s32 v6, v1  }
0x9d: {  	v1 =	vsel vm2, $0x1, v4;
	vm2 =	veq.s32 v2, v3;
	v0 =	vadd.s32 v7, v0  }
0x9e: {  	v2 =	vsel vm2, $0x1, v4;
	vm2 =	veq.s32 v5, v3;
	v0 =	vadd.s32 v1, v0  }
0x9f: {  	v1 =	vsel vm2, $0x1, v4;
	v0 =	vadd.s32 v2, v0  }
0xa0: {  	v0 =	vadd.s32 v1, v0  }
0xa1: {  	v0 =	vcvt.s32.f32 v0;
	_ =	sdelay $0x1  }
0xa2: {  	[tilespmem:$0x2080] =	vst v0  }
0xa3: {  	_ =	swait.ge [sflag:s14], $0x2000  }
0xa4: {  	[sflag:s14] =	ssyncset.done $0x0  }
0xa5: {  	s26 =	simm.s32 $0x40;
	s28 =	sadd.s32 $0xFFFFFFC0, s9;
	[sflag:s14] =	ssyncadd.s32 $0xFFFFE000  }
0xa6: {  	s21 =	sadd.s32 $0xFFFFFFBF, s9;
	v7 =	vmov s28;
	v2 =	vld [tilespmem:s26+$0x0]  }
0xa7: {  	s22 =	sadd.s32 $0xFFFFFFFF, s9;
	v1 =	vmov s21;
	v6 =	vld [tilespmem:s26+$0x10]  }
0xa8: {  	v5 =	vmov s22;
	v1 =	vand.u32 $0xFFFFFFFE, v1;
	v0 =	vmov s9;
	v8 =	vld [tilespmem:s26+$0x20]  }
0xa9: {  	v5 =	vand.u32 $0xFFFFFFFE, v5;
	v1 =	vbroadcast v1, $0x0;
	v10 =	vld [tilespmem:s26+$0x30]  }
0xaa: {  	v5 =	vbroadcast v5, $0x0;
	v11 =	vld [tilespmem:s26+$0xFFFFFFC0]  }
0xab: {  	v7 =	vld.idx.msk [tilespmem:v7+s5+$0x0], $0xffff  }
0xac: {  	v15 =	vld [tilespmem:s26+$0xFFFFFFE0]  }
0xad: {  	v0 =	vld.idx.msk [tilespmem:v0+s5+$0x0], $0xffff  }
0xae: {  	s29 =	sadd.s32 $0x80, s9;
	v12 =	vld [tilespmem:s26+$0xFFFFFFD0]  }
0xaf: {  	s31 =	sadd.s32 $0xFFFFFFFF, s29;
	v1 =	vld.idx.msk [tilespmem:v1+s5+$0x0], $0xffff  }
0xb0: {  	v20 =	vmov s31;
	v5 =	vld.idx.msk [tilespmem:v5+s5+$0x0], $0xffff  }
0xb1: {  	v28 =	vand.u32 $0xFFFFFFFE, v20;
	v22 =	vsub.f32 v11, v7;
	v20 =	vsub.f32 v15, v7  }
0xb2: {  	v18 =	vld [tilespmem:s26+$0xFFFFFFF0];
	v14 =	vsub.f32 v2, v0;
	v16 =	vsub.f32 v6, v0  }
0xb3: {  	v17 =	vimm.f32 $0.0e+00;
	v21 =	vsub.f32 v8, v0;
	v25 =	vsub.f32 v10, v0  }
0xb4: {  	s30 =	sadd.s32 $0xFFFFFFBF, s29;
	v19 =	vmov s29;
	v0 =	vsub.f32 v12, v7;
	v11 =	vsub.f32 v11, v1  }
0xb5: {  	s23 =	sadd.s32 $0xFFFFFFC0, s29;
	v13 =	vmov s30;
	v2 =	vsub.f32 v2, v5;
	v12 =	vsub.f32 v12, v1  }
0xb6: {  	v24 =	vmov s23;
	v6 =	vsub.f32 v6, v5;
	v8 =	vsub.f32 v8, v5  }
0xb7: {  	v27 =	vand.u32 $0xFFFFFFFE, v13;
	v5 =	vsub.f32 v10, v5;
	v7 =	vsub.f32 v18, v7  }
0xb8: {  	v15 =	vsub.f32 v15, v1;
	v23 =	vmul.f32 v20, v20;
	v10 =	vmul.f32 v11, v11  }
0xb9: {  	v1 =	vsub.f32 v18, v1;
	v14 =	vmul.f32 v14, v14;
	v11 =	vmul.f32 v22, v22  }
0xba: {  	s20 =	simm.s32 $0xC0;
	v22 =	vmul.f32 v12, v12;
	v2 =	vmul.f32 v2, v2;
	v10 =	vadd.f32 v10, v17  }
0xbb: {  	v13 =	vld [tilespmem:s20+$0x10];
	v0 =	vmul.f32 v0, v0;
	v6 =	vmul.f32 v6, v6;
	v11 =	vadd.f32 v11, v17  }
0xbc: {  	v26 =	vld.idx.msk [tilespmem:v19+s5+$0x0], $0xffff;
	v8 =	vmul.f32 v8, v8;
	v10 =	vadd.f32 v2, v10;
	v2 =	vadd.f32 v22, v17  }
0xbd: {  	v18 =	vld [tilespmem:s20+$0x30];
	v19 =	vmul.f32 v21, v21;
	v0 =	vadd.f32 v0, v17;
	v22 =	vmul.f32 v16, v16  }
0xbe: {  	v20 =	vld [tilespmem:s20+$0xFFFFFFC0];
	v11 =	vadd.f32 v14, v11;
	v14 =	vadd.f32 v6, v2;
	v2 =	vmul.f32 v15, v15  }
0xbf: {  	v12 =	vld [tilespmem:s20+$0x0];
	v21 =	vbroadcast v28, $0x0;
	v15 =	vadd.f32 v22, v0;
	v0 =	vmul.f32 v1, v1  }
0xc0: {  	v16 =	vld [tilespmem:s20+$0x20];
	v6 =	vmul.f32 v7, v7;
	v22 =	vbroadcast v27, $0x0;
	v2 =	vadd.f32 v2, v17  }
0xc1: {  	v25 =	vmul.f32 v25, v25;
	v7 =	vadd.f32 v23, v17;
	v23 =	vld [tilespmem:s20+$0xFFFFFFD0];
	v0 =	vadd.f32 v0, v17  }
0xc2: {  	v27 =	vld.idx.msk [tilespmem:v24+s5+$0x0], $0xffff;
	v1 =	vadd.f32 v6, v17;
	v17 =	vadd.f32 v8, v2;
	v2 =	vmul.f32 v5, v5  }
0xc3: {  	s22 =	sadd.s32 $0x80, s29;
	s21 =	simm.s32 $0x2;
	v24 =	vld [tilespmem:s20+$0xFFFFFFE0];
	v19 =	vadd.f32 v19, v7  }
.LBB2_2:
0xc4: {  	s23 =	sadd.s32 $0xFFFFFFBF, s22;
	s24 =	sadd.s32 $0xFFFFFFC0, s22;
	s25 =	sadd.s32 $0xFFFFFFFF, s22;
	v5 =	vmov s22;
	v6 =	vld [tilespmem:s20+$0xFFFFFFF0];
	v0 =	vadd.f32 v2, v0;
	v1 =	vadd.f32 v25, v1  }
0xc5: {  	v2 =	vmov s23;
	v7 =	vmov s24;
	v8 =	vmov s25;
	v28 =	vld.idx.msk [tilespmem:v21+s5+$0x0], $0xffff  }
0xc6: {  	v25 =	vsub.f32 v12, v26;
	v2 =	vand.u32 $0xFFFFFFFE, v2;
	v8 =	vand.u32 $0xFFFFFFFE, v8;
	v29 =	vld.idx.msk [tilespmem:v22+s5+$0x0], $0xffff  }
0xc7: {  	v30 =	vsub.f32 v16, v26;
	v21 =	vbroadcast v8, $0x0;
	v8 =	vsub.f32 v13, v26  }
0xc8: {  	v22 =	vbroadcast v2, $0x0;
	v2 =	vsub.f32 v20, v27;
	v26 =	vsub.f32 v18, v26  }
0xc9: {  	v31 =	vsub.f32 v23, v27;
	v32 =	vmul.f32 v25, v25;
	v8 =	vmul.f32 v8, v8  }
0xca: {  	v30 =	vmul.f32 v30, v30;
	v33 =	vsub.f32 v24, v27;
	v25 =	vmul.f32 v26, v26  }
0xcb: {  	v2 =	vmul.f32 v2, v2;
	v26 =	vmul.f32 v31, v31;
	v27 =	vsub.f32 v6, v27  }
0xcc: {  	v31 =	vmul.f32 v33, v33;
	v33 =	vsub.f32 v12, v28;
	v20 =	vsub.f32 v20, v29  }
0xcd: {  	s20 =	sadd.s32 $0x80, s20;
	v23 =	vsub.f32 v23, v29;
	v34 =	vmul.f32 v27, v27;
	v27 =	vsub.f32 v13, v28  }
0xce: {  	v35 =	vsub.f32 v16, v28;
	v28 =	vsub.f32 v18, v28;
	v20 =	vmul.f32 v20, v20;
	v12 =	vld [tilespmem:s20+$0x0]  }
0xcf: {  	v24 =	vsub.f32 v24, v29;
	v6 =	vsub.f32 v6, v29;
	v23 =	vmul.f32 v23, v23;
	v13 =	vld [tilespmem:s20+$0x10]  }
0xd0: {  	s21 =	sadd.s32 $0x2, s21;
	v2 =	vadd.f32 v2, v11;
	v11 =	vmul.f32 v33, v33;
	v10 =	vadd.f32 v20, v10;
	v16 =	vld [tilespmem:s20+$0x20]  }
0xd1: {  	p1 =	slt.u32 s21, $0x7E;
	v15 =	vadd.f32 v26, v15;
	v14 =	vadd.f32 v23, v14;
	v23 =	vmul.f32 v27, v27;
	v18 =	vld [tilespmem:s20+$0x30]  }
.Ltmp0:
0xd2: {  	v24 =	vmul.f32 v24, v24;
	v10 =	vadd.f32 v11, v10;
	v11 =	vadd.f32 v32, v2;
	v20 =	vld [tilespmem:s20+$0xFFFFFFC0];
	(pc) =	sbr.rel @p1 .LBB2_2-.Ltmp0, $4  }
0xd3: {  	v15 =	vadd.f32 v8, v15;
	v2 =	vmul.f32 v6, v6;
	v14 =	vadd.f32 v23, v14;
	v26 =	vld.idx.msk [tilespmem:v5+s5+$0x0], $0xffff  }
0xd4: {  	v8 =	vmul.f32 v35, v35;
	v6 =	vadd.f32 v31, v19;
	v5 =	vadd.f32 v24, v17;
	v23 =	vld [tilespmem:s20+$0xFFFFFFD0]  }
0xd5: {  	v1 =	vadd.f32 v34, v1;
	v0 =	vadd.f32 v2, v0;
	v2 =	vmul.f32 v28, v28;
	v27 =	vld.idx.msk [tilespmem:v7+s5+$0x0], $0xffff  }
0xd6: {  	s22 =	sadd.s32 $0x80, s22;
	v19 =	vadd.f32 v30, v6;
	v17 =	vadd.f32 v8, v5;
	v24 =	vld [tilespmem:s20+$0xFFFFFFE0]  }
0xd7: {  	_ =	sdelay $0x2  }
0xd8: {  	v5 =	vld [tilespmem:s20+$0xFFFFFFF0]  }
0xd9: {  	v0 =	vadd.f32 v2, v0;
	v2 =	vld.idx.msk [tilespmem:v22+s5+$0x0], $0xffff  }
0xda: {  	v1 =	vadd.f32 v25, v1;
	v6 =	vld.idx.msk [tilespmem:v21+s5+$0x0], $0xffff  }
0xdb: {  	v7 =	vsub.f32 v12, v26;
	v8 =	vsub.f32 v13, v26  }
0xdc: {  	v21 =	vsub.f32 v16, v26;
	v25 =	vsub.f32 v18, v26  }
0xdd: {  	v22 =	vsub.f32 v20, v27;
	v26 =	vsub.f32 v23, v27;
	v7 =	vmul.f32 v7, v7  }
0xde: {  	v8 =	vmul.f32 v8, v8;
	v28 =	vsub.f32 v24, v27;
	v27 =	vsub.f32 v5, v27  }
0xdf: {  	v22 =	vmul.f32 v22, v22;
	v20 =	vsub.f32 v20, v2;
	v12 =	vsub.f32 v12, v6  }
0xe0: {  	v26 =	vmul.f32 v26, v26;
	v23 =	vsub.f32 v23, v2;
	v13 =	vsub.f32 v13, v6  }
0xe1: {  	v16 =	vsub.f32 v16, v6;
	v6 =	vsub.f32 v18, v6;
	v20 =	vmul.f32 v20, v20  }
0xe2: {  	v18 =	vmul.f32 v23, v23;
	v23 =	vsub.f32 v24, v2;
	v2 =	vsub.f32 v5, v2  }
0xe3: {  	v11 =	vadd.f32 v22, v11;
	v5 =	vadd.f32 v20, v10;
	v10 =	vmul.f32 v12, v12  }
0xe4: {  	v13 =	vmul.f32 v13, v13;
	v12 =	vmul.f32 v28, v28;
	v14 =	vadd.f32 v18, v14  }
0xe5: {  	v18 =	vmul.f32 v23, v23;
	v7 =	vadd.f32 v7, v11;
	v5 =	vadd.f32 v10, v5  }
0xe6: {  	v2 =	vmul.f32 v2, v2;
	v10 =	vadd.f32 v26, v15;
	v11 =	vadd.f32 v13, v14  }
0xe7: {  	v13 =	vadd.f32 v18, v17;
	v14 =	vmul.f32 v16, v16;
	v15 =	vld [tilespmem:$0x2000];
	v16 =	vmul.f32 v27, v27;
	[tilespmem:$0x2140] =	vst v7  }
0xe8: {  	v0 =	vadd.f32 v2, v0;
	v2 =	vmul.f32 v6, v6;
	[tilespmem:$0x2100] =	vst v5;
	v8 =	vadd.f32 v8, v10  }
0xe9: {  	v21 =	vmul.f32 v21, v21;
	v10 =	vadd.f32 v12, v19;
	v6 =	vadd.f32 v14, v13;
	[tilespmem:$0x2110] =	vst v11  }
0xea: {  	v12 =	vmul.f32 v25, v25;
	v1 =	vadd.f32 v16, v1;
	v0 =	vadd.f32 v2, v0;
	v2 =	vld [tilespmem:$0x2020];
	[tilespmem:$0x2150] =	vst v8  }
0xeb: {  	v14 =	vadd.f32 v21, v10;
	v10 =	vld [tilespmem:$0x2010];
	[tilespmem:$0x2120] =	vst v6  }
0xec: {  	v1 =	vadd.f32 v12, v1;
	[tilespmem:$0x2130] =	vst v0;
	v12 =	vld [tilespmem:$0x2030]  }
0xed: {  	v23 =	vld [tilespmem:$0x1FFE0];
	[tilespmem:$0x2160] =	vst v14  }
0xee: {  	[tilespmem:$0x2170] =	vst v1  }
0xef: {  	v37 =	vimm.f32 $0.0e+00;
	v13 =	vld.idx.msk [tilespmem:v15+s15+$0x0], $0xffff  }
0xf0: {  	v56 =	vimm.f32 $0.0e+00;
	v51 =	vimm.f32 $0.0e+00;
	v49 =	vimm.f32 $0.0e+00  }
0xf1: {  	v43 =	vimm.f32 $0.0e+00;
	v18 =	vor.u32 $0x10, v3;
	v16 =	vor.u32 $0x30, v3  }
0xf2: {  	v42 =	vimm.f32 $0.0e+00;
	vm7 =	vne.s32 v41, v18;
	vm2 =	vne.s32 v23, v16;
	v19 =	vld.idx.msk [tilespmem:v2+s15+$0x0], $0xffff  }
0xf3: {  	vm3 =	vne.s32 v41, v16;
	v16 =	vor.u32 $0x20, v3;
	vm6 =	vne.s32 v23, v18;
	v17 =	vld.idx.msk [tilespmem:v10+s15+$0x0], $0xffff  }
0xf4: {  	s30 =	simm.s32 $0x1;
	vm4 =	vne.s32 v23, v16;
	vm5 =	vne.s32 v41, v16;
	v20 =	vld.idx.msk [tilespmem:v12+s15+$0x0], $0xffff;
	v13 =	vsub.f32 $6.400000000e+01, v13  }
0xf5: {  	v26 =	vcvt.s32.f32 v15;
	v18 =	vcvt.s32.f32 v2;
	v15 =	vmov s30  }
0xf6: {  	v24 =	vcvt.s32.f32 v10;
	v16 =	vcvt.s32.f32 v12;
	vm8 =	vge.f32 v13, $2.000000000e+00  }
0xf7: {  	v10 =	vsub.f32 $6.400000000e+01, v19;
	vm9 =	vmand vm1, vm8;
	vm8 =	vmand vm0, vm8  }
0xf8: {  	v2 =	vsub.f32 $6.400000000e+01, v17;
	v31 =	vsel vm9, $0x3F800000, v37;
	v29 =	vsel vm8, $0x3F800000, v37  }
0xf9: {  	s31 =	simm.s32 $0x0;
	v12 =	vsub.f32 $6.400000000e+01, v20;
	v22 =	vnsel vm9, $0xF149F2CA, v5;
	v20 =	vnsel vm8, $0xF149F2CA, v7  }
0xfa: {  	vm15 =	vge.f32 v10, $2.000000000e+00;
	v7 =	vmov s31;
	v33 =	vadd.f32 v29, v31  }
0xfb: {  	vm5 =	vmand vm5, vm15;
	vm4 =	vmand vm4, vm15;
	vm14 =	vge.f32 v2, $2.000000000e+00  }
0xfc: {  	v5 =	vld.idx.msk [tilespmem:v15+s10+$0x0], $0xffff;
	v2 =	vor.u32 $0x40, v15;
	v28 =	vsel vm5, $0x3F800000, v37;
	v25 =	vsel vm4, $0x3F800000, v37  }
0xfd: {  	v13 =	vnsel vm5, $0xF149F2CA, v6;
	vm5 =	vge.f32 v12, $2.000000000e+00;
	v6 =	vld.idx.msk [tilespmem:v15+s16+$0x0], $0xffff;
	v15 =	vnsel vm4, $0xF149F2CA, v14  }
0xfe: {  	vm7 =	vmand vm7, vm14;
	vm6 =	vmand vm6, vm14;
	v10 =	vadd.f32 v25, v28  }
0xff: {  	vm3 =	vmand vm3, vm5;
	vm2 =	vmand vm2, vm5;
	v30 =	vsel vm7, $0x3F800000, v37  }
0x100: {  	v27 =	vsel vm6, $0x3F800000, v37;
	v19 =	vnsel vm7, $0xF149F2CA, v11;
	v17 =	vnsel vm6, $0xF149F2CA, v8  }
0x101: {  	v48 =	vld.idx.msk [tilespmem:v41+s10+$0x0], $0xffff;
	v12 =	vsel vm3, $0x3F800000, v37;
	v11 =	vsel vm2, $0x3F800000, v37;
	v5 =	vcvt.s32.f32 v5  }
0x102: {  	v8 =	vor.u32 $0x40, v7;
	v32 =	vadd.f32 v27, v30;
	v2 =	vld.idx.msk [tilespmem:v2+s16+$0x0], $0xffff;
	[tilespmem:$0x1FFA0] =	vst v11;
	v11 =	vadd.f32 v11, v12  }
0x103: {  	v14 =	vnsel vm3, $0xF149F2CA, v0;
	v0 =	vsub.f32 v26, v5;
	v38 =	vsub.f32 v22, v6  }
0x104: {  	v41 =	vimm.f32 $0.0e+00;
	[tilespmem:$0x1FFB0] =	vst v12;
	v39 =	vsub.f32 v14, v6;
	v55 =	vsub.f32 v19, v6  }
0x105: {  	v12 =	vnsel vm2, $0xF149F2CA, v1;
	v35 =	vsub.f32 v13, v6;
	v54 =	vsub.f32 v18, v5;
	v21 =	vld.idx.msk [tilespmem:v7+s10+$0x0], $0xffff  }
0x106: {  	v50 =	vld.idx.msk [tilespmem:v7+s16+$0x0], $0xffff;
	v34 =	vand.u32 $0x7FFFFFFF, v0;
	vm3 =	veq.f32 v0, $0.0e+00;
	v0 =	vsub.f32 v16, v5  }
0x107: {  	v40 =	vld.idx.msk [tilespmem:v8+s16+$0x0], $0xffff;
	v5 =	vsub.f32 v24, v5;
	v46 =	vand.u32 $0x7FFFFFFF, v54;
	[tilespmem:$0x1FFC0] =	vst v48;
	v48 =	vimm.f32 $0.0e+00  }
0x108: {  	v8 =	vmul.f32 v34, v9;
	v62 =	vsel vm3, $0x0, v33;
	vm2 =	veq.f32 v0, $0.0e+00  }
0x109: {  	vm4 =	veq.f32 v5, $0.0e+00;
	v47 =	vsub.f32 v17, v2;
	v1 =	vsub.f32 v20, v2  }
0x10a: {  	v36 =	vsub.f32 v15, v2;
	v6 =	vsel vm3, $0xF149F2CA, v8;
	v2 =	vsub.f32 v12, v2  }
0x10b: {  	v8 =	vand.u32 $0x7FFFFFFF, v0;
	v52 =	vcvt.s32.f32 v21;
	v34 =	vadd.f32 v6, v38  }
0x10c: {  	v21 =	vand.u32 $0x7FFFFFFF, v5;
	v38 =	vimm.f32 $0.0e+00;
	v61 =	vadd.f32 v6, v1  }
0x10d: {  	v1 =	vmul.f32 v8, v9;
	v0 =	vsub.f32 v20, v40;
	v63 =	vsub.f32 v17, v40  }
0x10e: {  	v21 =	vmul.f32 v21, v9;
	v8 =	vsub.f32 v26, v52;
	v6 =	vsub.f32 v24, v52  }
0x10f: {  	v58 =	vsub.f32 v15, v40;
	v7 =	vsub.f32 v12, v40;
	v1 =	vsel vm2, $0xF149F2CA, v1  }
0x110: {  	v44 =	vand.u32 $0x7FFFFFFF, v8;
	vm3 =	veq.f32 v8, $0.0e+00;
	v45 =	vand.u32 $0x7FFFFFFF, v6  }
0x111: {  	v39 =	vadd.f32 v1, v39;
	v57 =	vadd.f32 v1, v2;
	v5 =	vmul.f32 v44, v9  }
0x112: {  	v8 =	vsel vm3, $0x0, v33;
	v1 =	vmul.f32 v45, v9;
	v45 =	vimm.f32 $0.0e+00  }
0x113: {  	v44 =	vimm.f32 $0.0e+00;
	v60 =	vsel vm3, $0xF149F2CA, v5;
	v5 =	vsub.f32 v16, v52  }
0x114: {  	v59 =	vadd.f32 v8, v37;
	v8 =	vsel vm4, $0xF149F2CA, v21;
	v53 =	vmax.f32 v39, $0.0e+00  }
0x115: {  	vm3 =	veq.f32 v6, $0.0e+00;
	v0 =	vadd.f32 v60, v0;
	v2 =	vand.u32 $0x7FFFFFFF, v5  }
0x116: {  	v21 =	vsel vm3, $0x0, v32;
	v6 =	vsel vm3, $0xF149F2CA, v1;
	v1 =	vmul.f32 v2, v9  }
0x117: {  	s20 =	simm.s32 $0x2;
	v40 =	vld.idx.msk [tilespmem:v23+s10+$0x0], $0xffff;
	v39 =	vmax.f32 v0, $0.0e+00;
	v0 =	vsub.f32 v19, v50;
	v2 =	vsub.f32 v14, v50  }
.LBB2_4:
0x118: {  	p1 =	slt.u32 s20, $0x3E;
	v37 =	vadd.f32 v39, v37;
	v39 =	vmax.f32 v61, $0.0e+00;
	v55 =	vadd.f32 v8, v55;
	s21 =	smov.u32 s20;
	s20 =	sadd.s32 $0x2, s20  }
0x119: {  	v21 =	vadd.f32 v21, v56;
	v8 =	vadd.f32 v8, v47;
	vm3 =	veq.f32 v54, $0.0e+00  }
0x11a: {  	v47 =	vadd.f32 v6, v63;
	vm5 =	veq.f32 v5, $0.0e+00;
	v5 =	vsel vm4, $0x0, v32;
	s22 =	sadd.s32 $0x1, s21  }
0x11b: {  	v59 =	vadd.f32 v62, v59;
	v1 =	vsel vm5, $0xF149F2CA, v1;
	v54 =	vmov s22  }
0x11c: {  	v47 =	vmax.f32 v47, $0.0e+00;
	v8 =	vmax.f32 v8, $0.0e+00;
	v56 =	vor.u32 $0x40, v54  }
0x11d: {  	v61 =	vsub.f32 v13, v50;
	v47 =	vadd.f32 v47, v51;
	v51 =	vsel vm5, $0x0, v11  }
0x11e: {  	v0 =	vadd.f32 v6, v0;
	v6 =	vadd.f32 v1, v7;
	v7 =	vsel vm2, $0x0, v11  }
0x11f: {  	v52 =	vsub.f32 v18, v52;
	v1 =	vadd.f32 v1, v2;
	v2 =	vmax.f32 v55, $0.0e+00  }
0x120: {  	v50 =	vsub.f32 v22, v50;
	v0 =	vmax.f32 v0, $0.0e+00;
	v49 =	vadd.f32 v51, v49;
	v55 =	vld.idx.msk [tilespmem:v54+s10+$0x0], $0xffff  }
0x121: {  	vm2 =	veq.f32 v52, $0.0e+00;
	v37 =	vadd.f32 v39, v37;
	v1 =	vmax.f32 v1, $0.0e+00  }
0x122: {  	v0 =	vadd.f32 v0, v45;
	v6 =	vmax.f32 v6, $0.0e+00;
	v1 =	vadd.f32 v1, v48  }
0x123: {  	v45 =	vand.u32 $0x7FFFFFFF, v52;
	v48 =	vadd.f32 v60, v50;
	v51 =	vadd.f32 v8, v47;
	v39 =	vld.idx.msk [tilespmem:v56+s16+$0x0], $0xffff  }
0x124: {  	v8 =	vmul.f32 v45, v9;
	v45 =	vadd.f32 v2, v0;
	v0 =	vmax.f32 v57, $0.0e+00  }
0x125: {  	v2 =	vadd.f32 v6, v44;
	v56 =	vadd.f32 v5, v21;
	v5 =	vmul.f32 v46, v9  }
0x126: {  	v49 =	vadd.f32 v7, v49;
	v8 =	vsel vm2, $0xF149F2CA, v8;
	v21 =	vcvt.s32.f32 v55;
	v6 =	vld.idx.msk [tilespmem:v54+s16+$0x0], $0xffff  }
0x127: {  	v7 =	vadd.f32 v8, v58;
	v44 =	vadd.f32 v0, v2;
	v5 =	vsel vm3, $0xF149F2CA, v5  }
0x128: {  	v2 =	vmax.f32 v48, $0.0e+00;
	v48 =	vadd.f32 v53, v1;
	v0 =	vsub.f32 v26, v21  }
0x129: {  	v1 =	vadd.f32 v8, v61;
	v7 =	vmax.f32 v7, $0.0e+00;
	v47 =	vsub.f32 v17, v39  }
0x12a: {  	v8 =	vmov s21;
	v36 =	vadd.f32 v5, v36;
	vm4 =	veq.f32 v0, $0.0e+00  }
0x12b: {  	v46 =	vor.u32 $0x40, v8;
	v7 =	vadd.f32 v7, v41;
	v0 =	vand.u32 $0x7FFFFFFF, v0  }
0x12c: {  	v5 =	vadd.f32 v5, v35;
	v52 =	vsub.f32 v20, v39;
	v35 =	vmax.f32 v36, $0.0e+00  }
0x12d: {  	v1 =	vmax.f32 v1, $0.0e+00;
	v41 =	vadd.f32 v35, v7;
	v53 =	vsub.f32 v22, v6  }
0x12e: {  	v1 =	vadd.f32 v1, v43;
	v0 =	vmul.f32 v0, v9;
	v7 =	vsub.f32 v14, v6  }
0x12f: {  	v58 =	vsel vm3, $0x0, v10;
	v36 =	vsub.f32 v15, v39;
	v55 =	vsub.f32 v19, v6;
	v57 =	vld.idx.msk [tilespmem:v8+s10+$0x0], $0xffff  }
0x130: {  	v2 =	vadd.f32 v2, v42;
	v35 =	vsub.f32 v13, v6;
	v6 =	vmax.f32 v34, $0.0e+00;
	v23 =	vld.idx.msk [tilespmem:v46+s16+$0x0], $0xffff  }
0x131: {  	v5 =	vmax.f32 v5, $0.0e+00;
	v0 =	vsel vm4, $0xF149F2CA, v0;
	v50 =	vld.idx.msk [tilespmem:v8+s16+$0x0], $0xffff;
	v8 =	vsub.f32 v16, v21  }
0x132: {  	v39 =	vsub.f32 v12, v39;
	v43 =	vadd.f32 v5, v1;
	v34 =	vsel vm2, $0x0, v10  }
0x133: {  	v54 =	vsub.f32 v18, v21;
	v5 =	vadd.f32 v34, v38;
	v1 =	vand.u32 $0x7FFFFFFF, v8  }
0x134: {  	v42 =	vadd.f32 v6, v2;
	v61 =	vadd.f32 v0, v52;
	v1 =	vmul.f32 v1, v9  }
0x135: {  	v38 =	vadd.f32 v58, v5;
	vm2 =	veq.f32 v8, $0.0e+00;
	v52 =	vcvt.s32.f32 v57  }
0x136: {  	v5 =	vsub.f32 v24, v21;
	v46 =	vand.u32 $0x7FFFFFFF, v54;
	v2 =	vsub.f32 v20, v23  }
0x137: {  	v34 =	vadd.f32 v0, v53;
	v6 =	vsub.f32 v26, v52;
	v0 =	vsel vm2, $0xF149F2CA, v1  }
0x138: {  	v62 =	vsel vm4, $0x0, v33;
	v8 =	vand.u32 $0x7FFFFFFF, v5;
	v1 =	vsub.f32 v24, v52  }
0x139: {  	vm4 =	veq.f32 v5, $0.0e+00;
	v21 =	vand.u32 $0x7FFFFFFF, v6;
	vm3 =	veq.f32 v6, $0.0e+00  }
0x13a: {  	v8 =	vmul.f32 v8, v9;
	v5 =	vmul.f32 v21, v9;
	v6 =	vsel vm3, $0x0, v33  }
0x13b: {  	v63 =	vsub.f32 v17, v23;
	v7 =	vadd.f32 v0, v7;
	v21 =	vand.u32 $0x7FFFFFFF, v1  }
0x13c: {  	v8 =	vsel vm4, $0xF149F2CA, v8;
	v59 =	vadd.f32 v6, v59;
	v60 =	vsel vm3, $0xF149F2CA, v5  }
.Ltmp1:
0x13d: {  	v57 =	vadd.f32 v0, v39;
	vm3 =	veq.f32 v1, $0.0e+00;
	v5 =	vsub.f32 v16, v52;
	(pc) =	sbr.rel @p1 .LBB2_4-.Ltmp1, $4  }
0x13e: {  	v53 =	vmax.f32 v7, $0.0e+00;
	v0 =	vmul.f32 v21, v9;
	v21 =	vsel vm3, $0x0, v32  }
0x13f: {  	v58 =	vsub.f32 v15, v23;
	v2 =	vadd.f32 v60, v2;
	v1 =	vand.u32 $0x7FFFFFFF, v5  }
0x140: {  	v7 =	vsub.f32 v12, v23;
	v6 =	vsel vm3, $0xF149F2CA, v0;
	v1 =	vmul.f32 v1, v9  }
0x141: {  	v0 =	vsub.f32 v19, v50;
	v39 =	vmax.f32 v2, $0.0e+00;
	v2 =	vsub.f32 v14, v50  }
0x142: {  	v23 =	vadd.f32 v6, v63;
	v39 =	vadd.f32 v39, v37  }
0x143: {  	v21 =	vadd.f32 v21, v56;
	v55 =	vadd.f32 v8, v55  }
0x144: {  	v56 =	vadd.f32 v8, v47;
	vm3 =	veq.f32 v5, $0.0e+00;
	v37 =	vadd.f32 v62, v59  }
0x145: {  	v63 =	vsub.f32 v18, v52;
	v47 =	vsel vm4, $0x0, v32;
	v31 =	vsub.f32 $0.0e+00, v31  }
0x146: {  	v0 =	vadd.f32 v6, v0;
	v6 =	vmax.f32 v61, $0.0e+00;
	v1 =	vsel vm3, $0xF149F2CA, v1  }
0x147: {  	v23 =	vmax.f32 v23, $0.0e+00;
	v7 =	vadd.f32 v1, v7;
	v1 =	vadd.f32 v1, v2  }
0x148: {  	v2 =	vsel vm3, $0x0, v11;
	v8 =	vmax.f32 v56, $0.0e+00;
	vm3 =	veq.f32 v54, $0.0e+00  }
0x149: {  	vm5 =	veq.f32 v63, $0.0e+00;
	v21 =	vadd.f32 v47, v21;
	v5 =	vadd.f32 v23, v51  }
0x14a: {  	v33 =	vadd.f32 v2, v49;
	v2 =	vadd.f32 v6, v39;
	v0 =	vmax.f32 v0, $0.0e+00  }
0x14b: {  	v6 =	vsub.f32 v22, v50;
	v39 =	vmax.f32 v55, $0.0e+00;
	v23 =	vand.u32 $0x7FFFFFFF, v63  }
0x14c: {  	v49 =	vsub.f32 v13, v50;
	v0 =	vadd.f32 v0, v45;
	v45 =	vmul.f32 v23, v9  }
0x14d: {  	v55 =	vcvt.s32.f32 v40;
	v1 =	vmax.f32 v1, $0.0e+00;
	v7 =	vmax.f32 v7, $0.0e+00  }
0x14e: {  	v1 =	vadd.f32 v1, v48;
	v5 =	vadd.f32 v8, v5;
	v8 =	vsel vm5, $0xF149F2CA, v45  }
0x14f: {  	v54 =	vld [tilespmem:$0x1FFC0];
	v6 =	vadd.f32 v60, v6;
	v48 =	vmul.f32 v46, v9;
	v51 =	vadd.f32 v8, v58  }
0x150: {  	v50 =	vmax.f32 v57, $0.0e+00;
	v7 =	vadd.f32 v7, v44;
	v57 =	vsub.f32 v26, v55  }
0x151: {  	v59 =	vsub.f32 v24, v55;
	v32 =	vsel vm3, $0xF149F2CA, v48;
	v52 =	vmax.f32 v51, $0.0e+00  }
0x152: {  	v34 =	vmax.f32 v34, $0.0e+00;
	v36 =	vadd.f32 v32, v36;
	v23 =	vadd.f32 v52, v41;
	v41 =	vld [tilespmem:$0x1FFF0]  }
0x153: {  	v60 =	vsel vm5, $0x0, v10;
	v47 =	vsub.f32 v16, v55;
	v0 =	vadd.f32 v39, v0  }
0x154: {  	v63 =	vld [tilespmem:$0x1FFD0];
	v1 =	vadd.f32 v53, v1;
	v53 =	vmax.f32 v36, $0.0e+00;
	v36 =	vcvt.s32.f32 v54  }
0x155: {  	v7 =	vadd.f32 v50, v7;
	v8 =	vadd.f32 v8, v49;
	v6 =	vmax.f32 v6, $0.0e+00  }
0x156: {  	vm8 =	veq.f32 v57, $0.0e+00;
	vm12 =	veq.f32 v59, $0.0e+00;
	v56 =	vsub.f32 v26, v36  }
0x157: {  	vm15 =	veq.f32 v47, $0.0e+00;
	v32 =	vadd.f32 v32, v35;
	v6 =	vadd.f32 v6, v42  }
0x158: {  	v29 =	vsel vm8, $0x0, v29;
	v58 =	vsub.f32 v24, v36;
	vm9 =	veq.f32 v56, $0.0e+00  }
0x159: {  	v27 =	vsel vm12, $0x0, v27;
	v42 =	vsub.f32 v18, v55;
	v31 =	vsel vm9, $0x0, v31  }
0x15a: {  	v8 =	vmax.f32 v8, $0.0e+00;
	vm7 =	veq.f32 v58, $0.0e+00;
	v29 =	vsub.f32 v31, v29;
	v62 =	vld.idx.msk [tilespmem:v41+s16+$0x0], $0xffff  }
0x15b: {  	v8 =	vadd.f32 v8, v43;
	v61 =	vsub.f32 v18, v36;
	v30 =	vsel vm7, $0x0, v30  }
0x15c: {  	v32 =	vmax.f32 v32, $0.0e+00;
	v31 =	vadd.f32 v60, v38;
	v38 =	vld.idx.msk [tilespmem:v63+s16+$0x0], $0xffff;
	v29 =	vsub.f32 v29, v30  }
0x15d: {  	v6 =	vadd.f32 v34, v6;
	vm6 =	veq.f32 v42, $0.0e+00;
	v43 =	vand.u32 $0x7FFFFFFF, v56  }
0x15e: {  	vm13 =	veq.f32 v61, $0.0e+00;
	v44 =	vmul.f32 v43, v9;
	v27 =	vsub.f32 v29, v27  }
0x15f: {  	v26 =	vand.u32 $0x7FFFFFFF, v57;
	v28 =	vsel vm13, $0x0, v28;
	v45 =	vsub.f32 v22, v62  }
0x160: {  	v26 =	vmul.f32 v26, v9;
	v27 =	vsub.f32 v27, v28;
	v28 =	vsel vm9, $0xF149F2CA, v44  }
0x161: {  	v52 =	vand.u32 $0x7FFFFFFF, v59;
	v20 =	vsub.f32 v20, v38;
	v22 =	vadd.f32 v45, v28  }
0x162: {  	v55 =	vand.u32 $0x7FFFFFFF, v42;
	v25 =	vsel vm6, $0x0, v25;
	v26 =	vsel vm8, $0xF149F2CA, v26  }
0x163: {  	v48 =	vand.u32 $0x7FFFFFFF, v58;
	v20 =	vadd.f32 v20, v26;
	v22 =	vmax.f32 v22, $0.0e+00  }
0x164: {  	v23 =	vadd.f32 v53, v23;
	v49 =	vmul.f32 v48, v9;
	v6 =	vsub.f32 v6, v22  }
0x165: {  	v46 =	vsub.f32 v16, v36;
	v19 =	vsub.f32 v19, v62;
	v20 =	vmax.f32 v20, $0.0e+00  }
0x166: {  	v50 =	vsel vm7, $0xF149F2CA, v49;
	v2 =	vsub.f32 v2, v20;
	v6 =	vadd.f32 $0.0e+00, v6  }
0x167: {  	v8 =	vadd.f32 v32, v8;
	vm14 =	veq.f32 v46, $0.0e+00;
	v19 =	vadd.f32 v19, v50  }
0x168: {  	v54 =	vand.u32 $0x7FFFFFFF, v61;
	v2 =	vadd.f32 v2, v6;
	v6 =	vmul.f32 v52, v9  }
0x169: {  	v58 =	vand.u32 $0x7FFFFFFF, v46;
	v17 =	vsub.f32 v17, v38;
	v19 =	vmax.f32 v19, $0.0e+00  }
0x16a: {  	v51 =	vld [tilespmem:$0x1FFB0];
	v60 =	vand.u32 $0x7FFFFFFF, v47;
	v0 =	vsub.f32 v0, v19;
	v6 =	vsel vm12, $0xF149F2CA, v6  }
0x16b: {  	v61 =	vmul.f32 v60, v9;
	v56 =	vsub.f32 v13, v62;
	v6 =	vadd.f32 v17, v6  }
0x16c: {  	v59 =	vsub.f32 v14, v62;
	v0 =	vadd.f32 v2, v0;
	v2 =	vmul.f32 v54, v9  }
0x16d: {  	v53 =	vld [tilespmem:$0x1FFA0];
	v25 =	vsub.f32 v27, v25;
	v17 =	vmul.f32 v55, v9;
	v6 =	vmax.f32 v6, $0.0e+00  }
0x16e: {  	v2 =	vsel vm13, $0xF149F2CA, v2;
	v5 =	vsub.f32 v5, v6;
	v6 =	vsub.f32 v15, v38  }
0x16f: {  	v20 =	vsel vm14, $0x0, v51;
	v2 =	vadd.f32 v56, v2;
	v57 =	vsel vm6, $0xF149F2CA, v17  }
0x170: {  	v0 =	vadd.f32 v0, v5;
	v5 =	vadd.f32 v6, v57;
	v6 =	vmul.f32 v58, v9  }
0x171: {  	v62 =	vsub.f32 v12, v38;
	v20 =	vsub.f32 v25, v20;
	v2 =	vmax.f32 v2, $0.0e+00  }
0x172: {  	v19 =	vsel vm15, $0x0, v53;
	v2 =	vsub.f32 v8, v2;
	v6 =	vsel vm14, $0xF149F2CA, v6  }
0x173: {  	v19 =	vsub.f32 v20, v19;
	v5 =	vmax.f32 v5, $0.0e+00;
	v6 =	vadd.f32 v59, v6  }
0x174: {  	v0 =	vadd.f32 v0, v2;
	v2 =	vsub.f32 v23, v5;
	v5 =	vsel vm15, $0xF149F2CA, v61  }
0x175: {  	v63 =	vadd.f32 v37, v19;
	v5 =	vadd.f32 v62, v5;
	v6 =	vmax.f32 v6, $0.0e+00  }
0x176: {  	v0 =	vadd.f32 v0, v2;
	v2 =	vsel vm3, $0x0, v10;
	v1 =	vsub.f32 v1, v6  }
0x177: {  	v2 =	vadd.f32 v2, v31;
	v6 =	vadd.f32 v21, v63;
	v5 =	vmax.f32 v5, $0.0e+00  }
0x178: {  	v0 =	vadd.f32 v0, v1;
	v1 =	vsub.f32 v7, v5;
	v5 =	vsel vm2, $0x0, v11  }
0x179: {  	v2 =	vadd.f32 v2, v6;
	v5 =	vadd.f32 v5, v33  }
0x17a: {  	v0 =	vadd.f32 v0, v1  }
0x17b: {  	v1 =	vadd.f32 v5, v2  }
0x17c: {  	[tilespmem:$0x2200] =	vst v0  }
0x17d: {  	[tilespmem:$0x2210] =	vst v1  }
0x17e: {  	[bflag:$0x0] =	sbarrier.arrive $0xFFFF  }
0x17f: {  	[spmem:s4] =	stream.indirect.scatter.add.f32 [tilespmem:s17], [sflag:$0x3], $0x20, s12, s13, $0xb8;
	[tilespmem:$0x2408] =	vst v63  }
0x180: {  	_ =	swait.ge [sflag:s18], $0x20  }
0x181: {  	[sflag:s18] =	ssyncset.done $0x0  }
0x182: {  	[sflag:s18] =	ssyncadd.s32 $0xFFFFFFE0  }
0x183: {  	s20 =	simm.s32 @!p0 $0x2280;
	[bflag:$0x0] =	sbarrier.arrive $0xFFFF  }
0x184: {  	[tilespmem:s20], [sflag:$0x3] =	stream.linear.gather @!p0 [spmem:s4], $0x80, $0x38;
	[tilespmem:$0x2408] =	vst v63  }
0x185: {  	s20 =	simm.s32 @!p0 $0x3  }
0x186: {  	_ =	swait.ge @!p0 [sflag:s20], $0x80  }
0x187: {  	[sflag:s20] =	ssyncset.done @!p0 $0x0  }
0x188: {  	[sflag:s20] =	ssyncadd.s32 @!p0 $0xFFFFFF80  }
0x189: {  	v0 =	vld @!p0 [tilespmem:$0x2280]  }
0x18a: {  	v1 =	vld @!p0 [tilespmem:$0x2290];
	_ =	sdelay $0x3  }
0x18b: {  	(xrf2) =	vadd.scan.msk.f32 @!p0 $0xffff, v0  }
0x18c: {  	(xrf2) =	vadd.scan.msk.f32 @!p0 $0xffff, v1;
	_ =	sdelay $0x8  }
0x18d: {  	v0, _, _ =	vpop @!p0 (xrf2)  }
0x18e: {  	v1, _, _ =	vpop @!p0 (xrf2)  }
0x18f: {  	v1 =	vbroadcast @!p0 v1, $0xF  }
0x190: {  	vm2 =	vcmask @!p0 $0x704;
	v0 =	vbroadcast @!p0 v0, $0xF  }
0x191: {  	s19 =	sadd.s32 $0x1, s19;
	v1 =	vnsel @!p0 vm2, $0x0, v1;
	vm2 =	vcmask @!p0 $0x3F04  }
0x192: {  	p1 =	sne.s32 s19, s8;
	v0 =	vsel @!p0 vm2, v1, v0  }
.Ltmp2:
0x193: {  	s21 =	simm.s32 @!p0 $0x0;
	s22 =	simm.s32 @!p0 $0x2300;
	[tilespmem:$0x2300] =	vst @!p0 v0;
	(pc) =	sbr.rel @p1 .LBB2_1-.Ltmp2, $4  }
0x194: {  	[hbm4b:s7+s21] =	stream.linear.scatter @!p0 [tilespmem:s22], [sflag:$0x3], $0x80, $0x38;
	[tilespmem:$0x2408] =	vst v63  }
0x195: {  	_ =	swait.ge @!p0 [sflag:s20], $0x80  }
0x196: {  	[sflag:s20] =	ssyncset.done @!p0 $0x0  }
0x197: {  	[sflag:s20] =	ssyncadd.s32 @!p0 $0xFFFFFF80  }
0x198: {  	_ =	sfence.sel $0x180000  }
0x199: {  	[bflag:$0x0] =	sbarrier.arrive $0xFFFF  }
0x19a: {  	_ =	strace $0x90000047  }
0x19b: {  	s0 =	sadd.s32 @!p0 $0x100000, s3;
	[bflag:$0x2] =	sbarrier.arrive $0xFFFF  }
0x19c: {  	[sflag:s0] =	ssyncadd.tile.s32 @!p0 $0x1;
	_ =	shalt  }
.Lfunc_end2:
_tile_overlayer_lowered:
.L_overlay_start_2:
0x19d: {  	(tag) =	ssettag $0x2  }
0x19e: {  	s0 =	rddreg [dreg:$0x0];
	s2 =	stileid.u32  }
0x19f: {  	s1 =	rddreg [dreg:$0x1];
	p0 =	sne.s32 s2, $0x0  }
0x1a0: {  	s3 =	rddreg [dreg:$0x2];
	[bflag:$0x3] =	sbarrier.arrive $0xFFFF;
	s2 =	simm.s32 @!p0 $0x1C03  }
0x1a1: {  	[timem:s3], [sflag:s2] =	dma.local @!p0 [hbm:s0], s1  }
0x1a2: {  	s0 =	simm.s32 @!p0 $0x3  }
0x1a3: {  	_ =	swait.ge @!p0 [sflag:s0], s1  }
0x1a4: {  	s1 =	ssub.s32 @!p0 $0x0, s1;
	[sflag:s0] =	ssyncset.done @!p0 $0x0  }
0x1a5: {  	[sflag:s0] =	ssyncadd.s32 @!p0 s1  }
0x1a6: {  	[bflag:$0x3] =	sbarrier.arrive $0xFFFF  }
0x1a7: {  	_ =	shalt  }

</sc_bundles>
